<compile_context>
chip_gen: v7x
topology: tpu7x:2x2x1
jax: 0.10.2.dev20260603
libtpu: 0.0.44.dev20260713+nightly
codegen_flags: <defaults>
</compile_context>

<pallas_src>
import jax
import jax.numpy as jnp
from jax import lax
from jax.experimental import pallas as pl
from jax.experimental.pallas import tpu as pltpu
from jax.experimental.pallas import tpu_sc as plsc

N = 100000
T = 8
D = 128

_NC = 2
_NS = 16
_NW = _NC * _NS

_CH = 320
_SUB = (320,)
_NFULL = N // _CH
_TAIL = N - _NFULL * _CH
_SLOTS = -(-_NFULL // _NW)
_LAST_N = _NFULL - (_NW - 1) * _SLOTS


def _ln_table_kernel(table_ref, gamma_ref, beta_ref, out_ref):
    x = table_ref[...] * (D ** 0.5)
    mean = jnp.mean(x, axis=-1, keepdims=True)
    xc = x - mean
    var = jnp.mean(xc * xc, axis=-1, keepdims=True)
    out_ref[...] = xc * lax.rsqrt(var + 1e-5) * gamma_ref[...] + beta_ref[...]


def _normed_table(table, ln_gamma, ln_beta):
    return pl.pallas_call(
        _ln_table_kernel,
        out_shape=jax.ShapeDtypeStruct((T, D), jnp.float32),
    )(table, ln_gamma, ln_beta)


_B = 3


def _gather_body(ids_hbm, tab_hbm, out_hbm, tab_sp, ids_v,
                 rows0, rows1, rows2, g0, g1, g2, s0, s1, s2):
    w = lax.axis_index("s") * _NC + lax.axis_index("c")
    c0 = w * _SLOTS
    n = jnp.minimum(_SLOTS, _NFULL - c0)
    row0 = c0 * _CH

    @pl.when(w < _NW - 1)
    def _():
        pltpu.make_async_copy(
            ids_hbm.at[pl.ds(row0, _SLOTS * _CH)], ids_v, s0).start()

    @pl.when(w == _NW - 1)
    def _():
        cnt = _LAST_N * _CH + _TAIL
        pltpu.make_async_copy(
            ids_hbm.at[pl.ds(row0, cnt)], ids_v.at[pl.ds(0, cnt)], s0).start()

    @pl.when(lax.axis_index("s") == 0)
    def _():
        pltpu.sync_copy(tab_hbm, tab_sp)

    plsc.subcore_barrier()

    @pl.when(w < _NW - 1)
    def _():
        pltpu.make_async_copy(
            ids_hbm.at[pl.ds(row0, _SLOTS * _CH)], ids_v, s0).wait()

    @pl.when(w == _NW - 1)
    def _():
        cnt = _LAST_N * _CH + _TAIL
        pltpu.make_async_copy(
            ids_hbm.at[pl.ds(row0, cnt)], ids_v.at[pl.ds(0, cnt)], s0).wait()

    bufs = (rows0, rows1, rows2)
    gsems = (g0, g1, g2)
    ssems = (s0, s1, s2)

    def gather_descs(j, buf, sem):
        ds, off = [], 0
        for ln in _SUB:
            idx = ids_v.at[pl.ds(j * _CH + off, ln)]
            ds.append(pltpu.make_async_copy(
                tab_sp.at[idx], buf.at[pl.ds(off, ln)], sem))
            off += ln
        return ds

    def store_desc(j, buf, sem):
        return pltpu.make_async_copy(
            buf, out_hbm.at[pl.ds((c0 + j) * _CH, _CH)], sem)

    def start_gather(j, buf, sem):
        for d in gather_descs(j, buf, sem):
            d.start()

    def wait_gather(j, buf, sem):
        for d in gather_descs(j, buf, sem):
            d.wait()

    start_gather(0, rows0, g0)
    start_gather(1, rows1, g1)

    @pl.when(n > 2)
    def _():
        start_gather(2, rows2, g2)

    def body(j, carry):
        @pl.when((j >= 1) & (j - 1 + _B < n))
        def _():
            for b in range(_B):
                @pl.when((j - 1) % _B == b)
                def _(b=b):
                    store_desc(j - 1, bufs[b], ssems[b]).wait()
                    start_gather(j - 1 + _B, bufs[b], gsems[b])

        for b in range(_B):
            @pl.when(j % _B == b)
            def _(b=b):
                wait_gather(j, bufs[b], gsems[b])
                store_desc(j, bufs[b], ssems[b]).start()

        return carry

    lax.fori_loop(0, n, body, 0)

    def drain(j, carry):
        for b in range(_B):
            @pl.when(j % _B == b)
            def _(b=b):
                store_desc(j, bufs[b], ssems[b]).wait()

        return carry

    lax.fori_loop(jnp.maximum(n - _B, 0), n, drain, 0)

    @pl.when(w == _NW - 1)
    def _():
        base = _LAST_N * _CH
        d1 = pltpu.make_async_copy(
            tab_sp.at[ids_v.at[pl.ds(base, 128)]], rows0.at[pl.ds(0, 128)], g0)
        d2 = pltpu.make_async_copy(
            tab_sp.at[ids_v.at[pl.ds(base + 128, _TAIL - 128)]],
            rows0.at[pl.ds(128, _TAIL - 128)], g0)
        d1.start()
        d2.start()
        d1.wait()
        d2.wait()
        pltpu.sync_copy(rows0.at[pl.ds(0, _TAIL)],
                        out_hbm.at[pl.ds(_NFULL * _CH, _TAIL)])


def kernel(node_type_ids, table, ln_gamma, ln_beta):
    normed = _normed_table(table, ln_gamma, ln_beta)
    mesh = plsc.VectorSubcoreMesh(core_axis_name="c", subcore_axis_name="s")
    gather = pl.kernel(
        _gather_body,
        mesh=mesh,
        out_type=jax.ShapeDtypeStruct((N, D), jnp.float32),
        scratch_types=[
            pltpu.VMEM_SHARED((T, D), jnp.float32),
            pltpu.VMEM((_SLOTS * _CH,), jnp.int32),
            pltpu.VMEM((_CH, D), jnp.float32),
            pltpu.VMEM((_CH, D), jnp.float32),
            pltpu.VMEM((_CH, D), jnp.float32),
            pltpu.SemaphoreType.DMA,
            pltpu.SemaphoreType.DMA,
            pltpu.SemaphoreType.DMA,
            pltpu.SemaphoreType.DMA,
            pltpu.SemaphoreType.DMA,
            pltpu.SemaphoreType.DMA,
        ],
    )
    return gather(node_type_ids.astype(jnp.int32), normed)

# --- scband reference (transcript-rebuilt; emitter-appended) ---
"""Pipeline reference for scband-node-type-embedding-79577154060744 (READ-ONLY COPY).

The authoritative reference and input builder live on the scoring server;
editing this copy changes nothing except your own understanding.
"""

import jax, jax.numpy as jnp
import numpy as np

N = 100000
T = 8
D = 128

def setup_inputs(seed: int = 0) -> dict:
    key = jax.random.key(seed)
    k1, k2 = jax.random.split(key)
    node_type_ids = jax.random.randint(k1, (N,), 0, T)
    # TokenEmbedding init: normal(0, D**-0.5)
    table = jax.random.normal(k2, (T, D), dtype=jnp.float32) * (D ** -0.5)
    # per-node-type LayerNorm params (nn.LayerNorm default init)
    ln_gamma = jnp.ones((T, D), dtype=jnp.float32)
    ln_beta = jnp.zeros((T, D), dtype=jnp.float32)
    return {"node_type_ids": node_type_ids, "table": table, "ln_gamma": ln_gamma, "ln_beta": ln_beta}

def _layernorm(x, gamma, beta, eps=1e-5):
    mean = jnp.mean(x, axis=-1, keepdims=True)
    var = jnp.mean((x - mean) ** 2, axis=-1, keepdims=True)
    return (x - mean) / jnp.sqrt(var + eps) * gamma + beta

def reference(node_type_ids, table, ln_gamma, ln_beta):
    # TokenEmbedding forward: emb(x) * sqrt(D)
    scale = D ** 0.5
    scaled = table * scale                       # [T, D]
    normed = _layernorm(scaled, ln_gamma, ln_beta)  # per-type LayerNorm, [T, D]
    # apply_nodes: every node of type t gets LN_t(table[t] * scale)
    out = jnp.take(normed, node_type_ids, axis=0)   # gather -> [N, D]
    return out

if __name__ == "__main__":
    import jax
    _d = setup_inputs()
    print(jax.jit(kernel)(*tuple(_d.values())))

</pallas_src>

<mosaic_0001>
#map = affine_map<(d0, d1) -> (0)>
#map1 = affine_map<(d0, d1) -> (0, 0)>
module attributes {stable_mosaic.version = 14 : i64} {
  func.func @_gather_body(%arg0: i32, %arg1: i32, %arg2: memref<100000xi32, #tpu.memory_space<hbm>>, %arg3: memref<8x128xf32, #tpu.memory_space<hbm>>, %arg4: memref<100000x128xf32, #tpu.memory_space<hbm>>, %arg5: memref<8x128xf32, #tpu.memory_space<vmem_shared>>, %arg6: memref<3200xi32, #tpu.memory_space<vmem>>, %arg7: memref<320x128xf32, #tpu.memory_space<vmem>>, %arg8: memref<320x128xf32, #tpu.memory_space<vmem>>, %arg9: memref<320x128xf32, #tpu.memory_space<vmem>>, %arg10: memref<!tpu.dma_semaphore, #tpu.memory_space<semaphore_mem>>, %arg11: memref<!tpu.dma_semaphore, #tpu.memory_space<semaphore_mem>>, %arg12: memref<!tpu.dma_semaphore, #tpu.memory_space<semaphore_mem>>, %arg13: memref<!tpu.dma_semaphore, #tpu.memory_space<semaphore_mem>>, %arg14: memref<!tpu.dma_semaphore, #tpu.memory_space<semaphore_mem>>, %arg15: memref<!tpu.dma_semaphore, #tpu.memory_space<semaphore_mem>>) attributes {dimension_semantics = [#tpu.dimension_semantics<core_parallel>, #tpu.dimension_semantics<subcore_parallel>], iteration_bounds = array<i64: 2, 16>, scalar_prefetch = 0 : i64, scratch_operands = 11 : i64, tpu.core_type = #tpu.core_type<sc_vector_subcore>, window_params = [{transform_indices = #map}, {transform_indices = #map1}, {transform_indices = #map1}]} {
    %mul3A = arith.constant 2 : i32
    %mul3A_0 = arith.muli %arg1, %mul3A : i32
    %add3A = arith.addi %mul3A_0, %arg0 : i32
    %mul3A_1 = arith.constant 10 : i32
    %mul3A_2 = arith.muli %add3A, %mul3A_1 : i32
    %sub3A = arith.constant 312 : i32
    %sub3A_3 = arith.subi %sub3A, %mul3A_2 : i32
    %min3A = arith.constant 10 : i32
    %min3A_4 = arith.minsi %min3A, %sub3A_3 : i32
    %mul3A_5 = arith.constant 320 : i32
    %mul3A_6 = arith.muli %mul3A_2, %mul3A_5 : i32
    %lt3A = arith.constant 31 : i32
    %lt3A_7 = arith.cmpi slt, %add3A, %lt3A : i32
    %convert_element_type3A = arith.extui %lt3A_7 : i1 to i32
    %cond3A = arith.constant 0 : i32
    %cond3A_8 = arith.cmpi ne, %convert_element_type3A, %cond3A : i32
    scf.if %cond3A_8 {
      %dma_start3A_73 = tpu.memref_slice %arg2[%mul3A_6] : memref<100000xi32, #tpu.memory_space<hbm>> -> memref<3200xi32, #tpu.memory_space<hbm>>
      %dma_start3A_74 = tpu.memref_slice %arg2[%mul3A_6] : memref<100000xi32, #tpu.memory_space<hbm>> -> memref<3200xi32, #tpu.memory_space<hbm>>
      tpu.enqueue_dma source(%dma_start3A_74 : memref<3200xi32, #tpu.memory_space<hbm>>) target(%arg6 : memref<3200xi32, #tpu.memory_space<vmem>>) target_semaphore(%arg13 : memref<!tpu.dma_semaphore, #tpu.memory_space<semaphore_mem>>)
    } else {
    }
    %eq3A = arith.constant 31 : i32
    %eq3A_9 = arith.cmpi eq, %add3A, %eq3A : i32
    %convert_element_type3A_10 = arith.extui %eq3A_9 : i1 to i32
    %cond3A_11 = arith.constant 0 : i32
    %cond3A_12 = arith.cmpi ne, %convert_element_type3A_10, %cond3A_11 : i32
    scf.if %cond3A_12 {
      %dma_start3A_73 = arith.constant 0 : i32
      %dma_start3A_74 = tpu.memref_slice %arg6[%dma_start3A_73] : memref<3200xi32, #tpu.memory_space<vmem>> -> memref<800xi32, #tpu.memory_space<vmem>>
      %dma_start3A_75 = tpu.memref_slice %arg2[%mul3A_6] : memref<100000xi32, #tpu.memory_space<hbm>> -> memref<800xi32, #tpu.memory_space<hbm>>
      %dma_start3A_76 = arith.constant 0 : i32
      %dma_start3A_77 = tpu.memref_slice %arg6[%dma_start3A_76] : memref<3200xi32, #tpu.memory_space<vmem>> -> memref<800xi32, #tpu.memory_space<vmem>>
      %dma_start3A_78 = tpu.memref_slice %arg2[%mul3A_6] : memref<100000xi32, #tpu.memory_space<hbm>> -> memref<800xi32, #tpu.memory_space<hbm>>
      tpu.enqueue_dma source(%dma_start3A_78 : memref<800xi32, #tpu.memory_space<hbm>>) target(%dma_start3A_77 : memref<800xi32, #tpu.memory_space<vmem>>) target_semaphore(%arg13 : memref<!tpu.dma_semaphore, #tpu.memory_space<semaphore_mem>>)
    } else {
    }
    %eq3A_13 = arith.constant 0 : i32
    %eq3A_14 = arith.cmpi eq, %arg1, %eq3A_13 : i32
    %convert_element_type3A_15 = arith.extui %eq3A_14 : i1 to i32
    %cond3A_16 = arith.constant 0 : i32
    %cond3A_17 = arith.cmpi ne, %convert_element_type3A_15, %cond3A_16 : i32
    scf.if %cond3A_17 {
      "tpu.region"() ({
        %run_scoped3A = tpu.sem_alloc : memref<!tpu.dma_semaphore, #tpu.memory_space<semaphore_mem>>
        tpu.enqueue_dma source(%arg3 : memref<8x128xf32, #tpu.memory_space<hbm>>) target(%arg5 : memref<8x128xf32, #tpu.memory_space<vmem_shared>>) target_semaphore(%run_scoped3A : memref<!tpu.dma_semaphore, #tpu.memory_space<semaphore_mem>>)
        tpu.wait_dma2 semaphore(%run_scoped3A : memref<!tpu.dma_semaphore, #tpu.memory_space<semaphore_mem>>) src(%arg3 : memref<8x128xf32, #tpu.memory_space<hbm>>) dst(%arg5 : memref<8x128xf32, #tpu.memory_space<vmem_shared>>)
        tpu.yield
      }) : () -> ()
    } else {
    }
    %barrier3A = arith.constant 0 : index
    tpu.barrier barrier_id(%barrier3A)
    %lt3A_18 = arith.constant 31 : i32
    %lt3A_19 = arith.cmpi slt, %add3A, %lt3A_18 : i32
    %convert_element_type3A_20 = arith.extui %lt3A_19 : i1 to i32
    %cond3A_21 = arith.constant 0 : i32
    %cond3A_22 = arith.cmpi ne, %convert_element_type3A_20, %cond3A_21 : i32
    scf.if %cond3A_22 {
      %dma_wait3A = tpu.memref_slice %arg2[%mul3A_6] : memref<100000xi32, #tpu.memory_space<hbm>> -> memref<3200xi32, #tpu.memory_space<hbm>>
      %dma_wait3A_73 = tpu.memref_slice %arg2[%mul3A_6] : memref<100000xi32, #tpu.memory_space<hbm>> -> memref<3200xi32, #tpu.memory_space<hbm>>
      tpu.wait_dma2 semaphore(%arg13 : memref<!tpu.dma_semaphore, #tpu.memory_space<semaphore_mem>>) src(%dma_wait3A_73 : memref<3200xi32, #tpu.memory_space<hbm>>) dst(%arg6 : memref<3200xi32, #tpu.memory_space<vmem>>)
    } else {
    }
    %eq3A_23 = arith.constant 31 : i32
    %eq3A_24 = arith.cmpi eq, %add3A, %eq3A_23 : i32
    %convert_element_type3A_25 = arith.extui %eq3A_24 : i1 to i32
    %cond3A_26 = arith.constant 0 : i32
    %cond3A_27 = arith.cmpi ne, %convert_element_type3A_25, %cond3A_26 : i32
    scf.if %cond3A_27 {
      %dma_wait3A = arith.constant 0 : i32
      %dma_wait3A_73 = tpu.memref_slice %arg6[%dma_wait3A] : memref<3200xi32, #tpu.memory_space<vmem>> -> memref<800xi32, #tpu.memory_space<vmem>>
      %dma_wait3A_74 = tpu.memref_slice %arg2[%mul3A_6] : memref<100000xi32, #tpu.memory_space<hbm>> -> memref<800xi32, #tpu.memory_space<hbm>>
      %dma_wait3A_75 = arith.constant 0 : i32
      %dma_wait3A_76 = tpu.memref_slice %arg6[%dma_wait3A_75] : memref<3200xi32, #tpu.memory_space<vmem>> -> memref<800xi32, #tpu.memory_space<vmem>>
      %dma_wait3A_77 = tpu.memref_slice %arg2[%mul3A_6] : memref<100000xi32, #tpu.memory_space<hbm>> -> memref<800xi32, #tpu.memory_space<hbm>>
      tpu.wait_dma2 semaphore(%arg13 : memref<!tpu.dma_semaphore, #tpu.memory_space<semaphore_mem>>) src(%dma_wait3A_77 : memref<800xi32, #tpu.memory_space<hbm>>) dst(%dma_wait3A_76 : memref<800xi32, #tpu.memory_space<vmem>>)
    } else {
    }
    %dma_start3A = arith.constant 0 : i32
    %dma_start3A_28 = arith.constant 0 : i32
    %dma_start3A_29 = tpu.memref_slice %arg7[%dma_start3A, %dma_start3A_28] : memref<320x128xf32, #tpu.memory_space<vmem>> -> memref<320x128xf32, #tpu.memory_space<vmem>>
    %dma_start3A_30 = arith.constant 0 : i32
    %dma_start3A_31 = tpu.memref_slice %arg6[%dma_start3A_30] : memref<3200xi32, #tpu.memory_space<vmem>> -> memref<320xi32, #tpu.memory_space<vmem>>
    %dma_start3A_32 = arith.constant 0 : i32
    %dma_start3A_33 = arith.constant 0 : i32
    %dma_start3A_34 = tpu.memref_slice %arg5[%dma_start3A_32, %dma_start3A_33] : memref<8x128xf32, #tpu.memory_space<vmem_shared>> -> memref<8x128xf32, #tpu.memory_space<vmem_shared>>
    tpu.enqueue_indirect_dma source(%dma_start3A_34 : memref<8x128xf32, #tpu.memory_space<vmem_shared>>) target(%dma_start3A_29 : memref<320x128xf32, #tpu.memory_space<vmem>>) offsets(%dma_start3A_31 : memref<320xi32, #tpu.memory_space<vmem>>) semaphore(%arg10 : memref<!tpu.dma_semaphore, #tpu.memory_space<semaphore_mem>>)
    %dma_start3A_35 = arith.constant 0 : i32
    %dma_start3A_36 = arith.constant 0 : i32
    %dma_start3A_37 = tpu.memref_slice %arg8[%dma_start3A_35, %dma_start3A_36] : memref<320x128xf32, #tpu.memory_space<vmem>> -> memref<320x128xf32, #tpu.memory_space<vmem>>
    %dma_start3A_38 = arith.constant 320 : i32
    %dma_start3A_39 = tpu.memref_slice %arg6[%dma_start3A_38] : memref<3200xi32, #tpu.memory_space<vmem>> -> memref<320xi32, #tpu.memory_space<vmem>>
    %dma_start3A_40 = arith.constant 0 : i32
    %dma_start3A_41 = arith.constant 0 : i32
    %dma_start3A_42 = tpu.memref_slice %arg5[%dma_start3A_40, %dma_start3A_41] : memref<8x128xf32, #tpu.memory_space<vmem_shared>> -> memref<8x128xf32, #tpu.memory_space<vmem_shared>>
    tpu.enqueue_indirect_dma source(%dma_start3A_42 : memref<8x128xf32, #tpu.memory_space<vmem_shared>>) target(%dma_start3A_37 : memref<320x128xf32, #tpu.memory_space<vmem>>) offsets(%dma_start3A_39 : memref<320xi32, #tpu.memory_space<vmem>>) semaphore(%arg11 : memref<!tpu.dma_semaphore, #tpu.memory_space<semaphore_mem>>)
    %gt3A = arith.constant 2 : i32
    %gt3A_43 = arith.cmpi sgt, %min3A_4, %gt3A : i32
    %convert_element_type3A_44 = arith.extui %gt3A_43 : i1 to i32
    %cond3A_45 = arith.constant 0 : i32
    %cond3A_46 = arith.cmpi ne, %convert_element_type3A_44, %cond3A_45 : i32
    scf.if %cond3A_46 {
      %dma_start3A_73 = arith.constant 0 : i32
      %dma_start3A_74 = arith.constant 0 : i32
      %dma_start3A_75 = tpu.memref_slice %arg9[%dma_start3A_73, %dma_start3A_74] : memref<320x128xf32, #tpu.memory_space<vmem>> -> memref<320x128xf32, #tpu.memory_space<vmem>>
      %dma_start3A_76 = arith.constant 640 : i32
      %dma_start3A_77 = tpu.memref_slice %arg6[%dma_start3A_76] : memref<3200xi32, #tpu.memory_space<vmem>> -> memref<320xi32, #tpu.memory_space<vmem>>
      %dma_start3A_78 = arith.constant 0 : i32
      %dma_start3A_79 = arith.constant 0 : i32
      %dma_start3A_80 = tpu.memref_slice %arg5[%dma_start3A_78, %dma_start3A_79] : memref<8x128xf32, #tpu.memory_space<vmem_shared>> -> memref<8x128xf32, #tpu.memory_space<vmem_shared>>
      tpu.enqueue_indirect_dma source(%dma_start3A_80 : memref<8x128xf32, #tpu.memory_space<vmem_shared>>) target(%dma_start3A_75 : memref<320x128xf32, #tpu.memory_space<vmem>>) offsets(%dma_start3A_77 : memref<320xi32, #tpu.memory_space<vmem>>) semaphore(%arg12 : memref<!tpu.dma_semaphore, #tpu.memory_space<semaphore_mem>>)
    } else {
    }
    %while3A = arith.constant 0 : i32
    %while3A_47 = arith.constant 0 : i32
    %while3A_48 = arith.subi %min3A_4, %while3A_47 : i32
    %while3A_49 = arith.addi %while3A_47, %while3A_48 : i32
    %while3A_50 = arith.constant 1 : i32
    %while3A_51 = arith.divsi %while3A_48, %while3A_50 : i32
    %while3A_52 = arith.muli %while3A_51, %while3A_50 : i32
    %while3A_53 = arith.addi %while3A_47, %while3A_52 : i32
    %while3A_54 = arith.constant 1 : i32
    scf.for %while3A_73 = %while3A_47 to %while3A_53 step %while3A_54  : i32 {
      %ge3A = arith.constant 1 : i32
      %ge3A_74 = arith.cmpi sge, %while3A_73, %ge3A : i32
      %sub3A_75 = arith.constant 1 : i32
      %sub3A_76 = arith.subi %while3A_73, %sub3A_75 : i32
      %add3A_77 = arith.constant 3 : i32
      %add3A_78 = arith.addi %sub3A_76, %add3A_77 : i32
      %lt3A_79 = arith.cmpi slt, %add3A_78, %min3A_4 : i32
      %and3A = arith.andi %ge3A_74, %lt3A_79 : i1
      %convert_element_type3A_80 = arith.extui %and3A : i1 to i32
      %cond3A_81 = arith.constant 0 : i32
      %cond3A_82 = arith.cmpi ne, %convert_element_type3A_80, %cond3A_81 : i32
      scf.if %cond3A_82 {
        %sub3A_142 = arith.constant 1 : i32
        %sub3A_143 = arith.subi %while3A_73, %sub3A_142 : i32
        %jit3A_144 = arith.constant 3 : i32
        %eq3A_145 = arith.constant 0 : i32
        %eq3A_146 = arith.cmpi eq, %jit3A_144, %eq3A_145 : i32
        %jit3A_147 = arith.constant 1 : i32
        %select_n3A_148 = arith.select %eq3A_146, %jit3A_147, %jit3A_144 : i32
        %rem3A_149 = arith.remsi %sub3A_143, %select_n3A_148 : i32
        %ne3A_150 = arith.constant 0 : i32
        %ne3A_151 = arith.cmpi ne, %rem3A_149, %ne3A_150 : i32
        %lt3A_152 = arith.constant 0 : i32
        %lt3A_153 = arith.cmpi slt, %rem3A_149, %lt3A_152 : i32
        %lt3A_154 = arith.constant 0 : i32
        %lt3A_155 = arith.cmpi slt, %select_n3A_148, %lt3A_154 : i32
        %ne3A_156 = arith.xori %lt3A_153, %lt3A_155 : i1
        %and3A_157 = arith.andi %ne3A_156, %ne3A_151 : i1
        %add3A_158 = arith.addi %rem3A_149, %select_n3A_148 : i32
        %select_n3A_159 = arith.select %and3A_157, %add3A_158, %rem3A_149 : i32
        %eq3A_160 = arith.constant 0 : i32
        %eq3A_161 = arith.cmpi eq, %select_n3A_159, %eq3A_160 : i32
        %convert_element_type3A_162 = arith.extui %eq3A_161 : i1 to i32
        %cond3A_163 = arith.constant 0 : i32
        %cond3A_164 = arith.cmpi ne, %convert_element_type3A_162, %cond3A_163 : i32
        scf.if %cond3A_164 {
          %sub3A_211 = arith.constant 1 : i32
          %sub3A_212 = arith.subi %while3A_73, %sub3A_211 : i32
          %add3A_213 = arith.addi %mul3A_2, %sub3A_212 : i32
          %mul3A_214 = arith.constant 320 : i32
          %mul3A_215 = arith.muli %add3A_213, %mul3A_214 : i32
          %dma_wait3A = arith.constant 0 : i32
          %dma_wait3A_216 = tpu.memref_slice %arg4[%mul3A_215, %dma_wait3A] : memref<100000x128xf32, #tpu.memory_space<hbm>> -> memref<320x128xf32, #tpu.memory_space<hbm>>
          %dma_wait3A_217 = arith.constant 0 : i32
          %dma_wait3A_218 = tpu.memref_slice %arg4[%mul3A_215, %dma_wait3A_217] : memref<100000x128xf32, #tpu.memory_space<hbm>> -> memref<320x128xf32, #tpu.memory_space<hbm>>
          tpu.wait_dma2 semaphore(%arg13 : memref<!tpu.dma_semaphore, #tpu.memory_space<semaphore_mem>>) src(%arg7 : memref<320x128xf32, #tpu.memory_space<vmem>>) dst(%dma_wait3A_218 : memref<320x128xf32, #tpu.memory_space<hbm>>)
          %sub3A_219 = arith.constant 1 : i32
          %sub3A_220 = arith.subi %while3A_73, %sub3A_219 : i32
          %add3A_221 = arith.constant 3 : i32
          %add3A_222 = arith.addi %sub3A_220, %add3A_221 : i32
          %mul3A_223 = arith.constant 320 : i32
          %mul3A_224 = arith.muli %add3A_222, %mul3A_223 : i32
          %add3A_225 = arith.constant 0 : i32
          %add3A_226 = arith.addi %mul3A_224, %add3A_225 : i32
          %dma_start3A_227 = arith.constant 0 : i32
          %dma_start3A_228 = arith.constant 0 : i32
          %dma_start3A_229 = tpu.memref_slice %arg7[%dma_start3A_227, %dma_start3A_228] : memref<320x128xf32, #tpu.memory_space<vmem>> -> memref<320x128xf32, #tpu.memory_space<vmem>>
          %dma_start3A_230 = tpu.memref_slice %arg6[%add3A_226] : memref<3200xi32, #tpu.memory_space<vmem>> -> memref<320xi32, #tpu.memory_space<vmem>>
          %dma_start3A_231 = arith.constant 0 : i32
          %dma_start3A_232 = arith.constant 0 : i32
          %dma_start3A_233 = tpu.memref_slice %arg5[%dma_start3A_231, %dma_start3A_232] : memref<8x128xf32, #tpu.memory_space<vmem_shared>> -> memref<8x128xf32, #tpu.memory_space<vmem_shared>>
          tpu.enqueue_indirect_dma source(%dma_start3A_233 : memref<8x128xf32, #tpu.memory_space<vmem_shared>>) target(%dma_start3A_229 : memref<320x128xf32, #tpu.memory_space<vmem>>) offsets(%dma_start3A_230 : memref<320xi32, #tpu.memory_space<vmem>>) semaphore(%arg10 : memref<!tpu.dma_semaphore, #tpu.memory_space<semaphore_mem>>)
        } else {
        }
        %sub3A_165 = arith.constant 1 : i32
        %sub3A_166 = arith.subi %while3A_73, %sub3A_165 : i32
        %jit3A_167 = arith.constant 3 : i32
        %eq3A_168 = arith.constant 0 : i32
        %eq3A_169 = arith.cmpi eq, %jit3A_167, %eq3A_168 : i32
        %jit3A_170 = arith.constant 1 : i32
        %select_n3A_171 = arith.select %eq3A_169, %jit3A_170, %jit3A_167 : i32
        %rem3A_172 = arith.remsi %sub3A_166, %select_n3A_171 : i32
        %ne3A_173 = arith.constant 0 : i32
        %ne3A_174 = arith.cmpi ne, %rem3A_172, %ne3A_173 : i32
        %lt3A_175 = arith.constant 0 : i32
        %lt3A_176 = arith.cmpi slt, %rem3A_172, %lt3A_175 : i32
        %lt3A_177 = arith.constant 0 : i32
        %lt3A_178 = arith.cmpi slt, %select_n3A_171, %lt3A_177 : i32
        %ne3A_179 = arith.xori %lt3A_176, %lt3A_178 : i1
        %and3A_180 = arith.andi %ne3A_179, %ne3A_174 : i1
        %add3A_181 = arith.addi %rem3A_172, %select_n3A_171 : i32
        %select_n3A_182 = arith.select %and3A_180, %add3A_181, %rem3A_172 : i32
        %eq3A_183 = arith.constant 1 : i32
        %eq3A_184 = arith.cmpi eq, %select_n3A_182, %eq3A_183 : i32
        %convert_element_type3A_185 = arith.extui %eq3A_184 : i1 to i32
        %cond3A_186 = arith.constant 0 : i32
        %cond3A_187 = arith.cmpi ne, %convert_element_type3A_185, %cond3A_186 : i32
        scf.if %cond3A_187 {
          %sub3A_211 = arith.constant 1 : i32
          %sub3A_212 = arith.subi %while3A_73, %sub3A_211 : i32
          %add3A_213 = arith.addi %mul3A_2, %sub3A_212 : i32
          %mul3A_214 = arith.constant 320 : i32
          %mul3A_215 = arith.muli %add3A_213, %mul3A_214 : i32
          %dma_wait3A = arith.constant 0 : i32
          %dma_wait3A_216 = tpu.memref_slice %arg4[%mul3A_215, %dma_wait3A] : memref<100000x128xf32, #tpu.memory_space<hbm>> -> memref<320x128xf32, #tpu.memory_space<hbm>>
          %dma_wait3A_217 = arith.constant 0 : i32
          %dma_wait3A_218 = tpu.memref_slice %arg4[%mul3A_215, %dma_wait3A_217] : memref<100000x128xf32, #tpu.memory_space<hbm>> -> memref<320x128xf32, #tpu.memory_space<hbm>>
          tpu.wait_dma2 semaphore(%arg14 : memref<!tpu.dma_semaphore, #tpu.memory_space<semaphore_mem>>) src(%arg8 : memref<320x128xf32, #tpu.memory_space<vmem>>) dst(%dma_wait3A_218 : memref<320x128xf32, #tpu.memory_space<hbm>>)
          %sub3A_219 = arith.constant 1 : i32
          %sub3A_220 = arith.subi %while3A_73, %sub3A_219 : i32
          %add3A_221 = arith.constant 3 : i32
          %add3A_222 = arith.addi %sub3A_220, %add3A_221 : i32
          %mul3A_223 = arith.constant 320 : i32
          %mul3A_224 = arith.muli %add3A_222, %mul3A_223 : i32
          %add3A_225 = arith.constant 0 : i32
          %add3A_226 = arith.addi %mul3A_224, %add3A_225 : i32
          %dma_start3A_227 = arith.constant 0 : i32
          %dma_start3A_228 = arith.constant 0 : i32
          %dma_start3A_229 = tpu.memref_slice %arg8[%dma_start3A_227, %dma_start3A_228] : memref<320x128xf32, #tpu.memory_space<vmem>> -> memref<320x128xf32, #tpu.memory_space<vmem>>
          %dma_start3A_230 = tpu.memref_slice %arg6[%add3A_226] : memref<3200xi32, #tpu.memory_space<vmem>> -> memref<320xi32, #tpu.memory_space<vmem>>
          %dma_start3A_231 = arith.constant 0 : i32
          %dma_start3A_232 = arith.constant 0 : i32
          %dma_start3A_233 = tpu.memref_slice %arg5[%dma_start3A_231, %dma_start3A_232] : memref<8x128xf32, #tpu.memory_space<vmem_shared>> -> memref<8x128xf32, #tpu.memory_space<vmem_shared>>
          tpu.enqueue_indirect_dma source(%dma_start3A_233 : memref<8x128xf32, #tpu.memory_space<vmem_shared>>) target(%dma_start3A_229 : memref<320x128xf32, #tpu.memory_space<vmem>>) offsets(%dma_start3A_230 : memref<320xi32, #tpu.memory_space<vmem>>) semaphore(%arg11 : memref<!tpu.dma_semaphore, #tpu.memory_space<semaphore_mem>>)
        } else {
        }
        %sub3A_188 = arith.constant 1 : i32
        %sub3A_189 = arith.subi %while3A_73, %sub3A_188 : i32
        %jit3A_190 = arith.constant 3 : i32
        %eq3A_191 = arith.constant 0 : i32
        %eq3A_192 = arith.cmpi eq, %jit3A_190, %eq3A_191 : i32
        %jit3A_193 = arith.constant 1 : i32
        %select_n3A_194 = arith.select %eq3A_192, %jit3A_193, %jit3A_190 : i32
        %rem3A_195 = arith.remsi %sub3A_189, %select_n3A_194 : i32
        %ne3A_196 = arith.constant 0 : i32
        %ne3A_197 = arith.cmpi ne, %rem3A_195, %ne3A_196 : i32
        %lt3A_198 = arith.constant 0 : i32
        %lt3A_199 = arith.cmpi slt, %rem3A_195, %lt3A_198 : i32
        %lt3A_200 = arith.constant 0 : i32
        %lt3A_201 = arith.cmpi slt, %select_n3A_194, %lt3A_200 : i32
        %ne3A_202 = arith.xori %lt3A_199, %lt3A_201 : i1
        %and3A_203 = arith.andi %ne3A_202, %ne3A_197 : i1
        %add3A_204 = arith.addi %rem3A_195, %select_n3A_194 : i32
        %select_n3A_205 = arith.select %and3A_203, %add3A_204, %rem3A_195 : i32
        %eq3A_206 = arith.constant 2 : i32
        %eq3A_207 = arith.cmpi eq, %select_n3A_205, %eq3A_206 : i32
        %convert_element_type3A_208 = arith.extui %eq3A_207 : i1 to i32
        %cond3A_209 = arith.constant 0 : i32
        %cond3A_210 = arith.cmpi ne, %convert_element_type3A_208, %cond3A_209 : i32
        scf.if %cond3A_210 {
          %sub3A_211 = arith.constant 1 : i32
          %sub3A_212 = arith.subi %while3A_73, %sub3A_211 : i32
          %add3A_213 = arith.addi %mul3A_2, %sub3A_212 : i32
          %mul3A_214 = arith.constant 320 : i32
          %mul3A_215 = arith.muli %add3A_213, %mul3A_214 : i32
          %dma_wait3A = arith.constant 0 : i32
          %dma_wait3A_216 = tpu.memref_slice %arg4[%mul3A_215, %dma_wait3A] : memref<100000x128xf32, #tpu.memory_space<hbm>> -> memref<320x128xf32, #tpu.memory_space<hbm>>
          %dma_wait3A_217 = arith.constant 0 : i32
          %dma_wait3A_218 = tpu.memref_slice %arg4[%mul3A_215, %dma_wait3A_217] : memref<100000x128xf32, #tpu.memory_space<hbm>> -> memref<320x128xf32, #tpu.memory_space<hbm>>
          tpu.wait_dma2 semaphore(%arg15 : memref<!tpu.dma_semaphore, #tpu.memory_space<semaphore_mem>>) src(%arg9 : memref<320x128xf32, #tpu.memory_space<vmem>>) dst(%dma_wait3A_218 : memref<320x128xf32, #tpu.memory_space<hbm>>)
          %sub3A_219 = arith.constant 1 : i32
          %sub3A_220 = arith.subi %while3A_73, %sub3A_219 : i32
          %add3A_221 = arith.constant 3 : i32
          %add3A_222 = arith.addi %sub3A_220, %add3A_221 : i32
          %mul3A_223 = arith.constant 320 : i32
          %mul3A_224 = arith.muli %add3A_222, %mul3A_223 : i32
          %add3A_225 = arith.constant 0 : i32
          %add3A_226 = arith.addi %mul3A_224, %add3A_225 : i32
          %dma_start3A_227 = arith.constant 0 : i32
          %dma_start3A_228 = arith.constant 0 : i32
          %dma_start3A_229 = tpu.memref_slice %arg9[%dma_start3A_227, %dma_start3A_228] : memref<320x128xf32, #tpu.memory_space<vmem>> -> memref<320x128xf32, #tpu.memory_space<vmem>>
          %dma_start3A_230 = tpu.memref_slice %arg6[%add3A_226] : memref<3200xi32, #tpu.memory_space<vmem>> -> memref<320xi32, #tpu.memory_space<vmem>>
          %dma_start3A_231 = arith.constant 0 : i32
          %dma_start3A_232 = arith.constant 0 : i32
          %dma_start3A_233 = tpu.memref_slice %arg5[%dma_start3A_231, %dma_start3A_232] : memref<8x128xf32, #tpu.memory_space<vmem_shared>> -> memref<8x128xf32, #tpu.memory_space<vmem_shared>>
          tpu.enqueue_indirect_dma source(%dma_start3A_233 : memref<8x128xf32, #tpu.memory_space<vmem_shared>>) target(%dma_start3A_229 : memref<320x128xf32, #tpu.memory_space<vmem>>) offsets(%dma_start3A_230 : memref<320xi32, #tpu.memory_space<vmem>>) semaphore(%arg12 : memref<!tpu.dma_semaphore, #tpu.memory_space<semaphore_mem>>)
        } else {
        }
      } else {
      }
      %jit3A = arith.constant 3 : i32
      %eq3A_83 = arith.constant 0 : i32
      %eq3A_84 = arith.cmpi eq, %jit3A, %eq3A_83 : i32
      %jit3A_85 = arith.constant 1 : i32
      %select_n3A = arith.select %eq3A_84, %jit3A_85, %jit3A : i32
      %rem3A = arith.remsi %while3A_73, %select_n3A : i32
      %ne3A = arith.constant 0 : i32
      %ne3A_86 = arith.cmpi ne, %rem3A, %ne3A : i32
      %lt3A_87 = arith.constant 0 : i32
      %lt3A_88 = arith.cmpi slt, %rem3A, %lt3A_87 : i32
      %lt3A_89 = arith.constant 0 : i32
      %lt3A_90 = arith.cmpi slt, %select_n3A, %lt3A_89 : i32
      %ne3A_91 = arith.xori %lt3A_88, %lt3A_90 : i1
      %and3A_92 = arith.andi %ne3A_91, %ne3A_86 : i1
      %add3A_93 = arith.addi %rem3A, %select_n3A : i32
      %select_n3A_94 = arith.select %and3A_92, %add3A_93, %rem3A : i32
      %eq3A_95 = arith.constant 0 : i32
      %eq3A_96 = arith.cmpi eq, %select_n3A_94, %eq3A_95 : i32
      %convert_element_type3A_97 = arith.extui %eq3A_96 : i1 to i32
      %cond3A_98 = arith.constant 0 : i32
      %cond3A_99 = arith.cmpi ne, %convert_element_type3A_97, %cond3A_98 : i32
      scf.if %cond3A_99 {
        %mul3A_142 = arith.constant 320 : i32
        %mul3A_143 = arith.muli %while3A_73, %mul3A_142 : i32
        %add3A_144 = arith.constant 0 : i32
        %add3A_145 = arith.addi %mul3A_143, %add3A_144 : i32
        %dma_wait3A = arith.constant 0 : i32
        %dma_wait3A_146 = arith.constant 0 : i32
        %dma_wait3A_147 = tpu.memref_slice %arg7[%dma_wait3A, %dma_wait3A_146] : memref<320x128xf32, #tpu.memory_space<vmem>> -> memref<320x128xf32, #tpu.memory_space<vmem>>
        %dma_wait3A_148 = tpu.memref_slice %arg6[%add3A_145] : memref<3200xi32, #tpu.memory_space<vmem>> -> memref<320xi32, #tpu.memory_space<vmem>>
        %dma_wait3A_149 = arith.constant 0 : i32
        %dma_wait3A_150 = arith.constant 0 : i32
        %dma_wait3A_151 = tpu.memref_slice %arg5[%dma_wait3A_149, %dma_wait3A_150] : memref<8x128xf32, #tpu.memory_space<vmem_shared>> -> memref<8x128xf32, #tpu.memory_space<vmem_shared>>
        tpu.wait_indirect_dma semaphore(%arg10 : memref<!tpu.dma_semaphore, #tpu.memory_space<semaphore_mem>>) src(%dma_wait3A_151 : memref<8x128xf32, #tpu.memory_space<vmem_shared>>) dst(%dma_wait3A_147 : memref<320x128xf32, #tpu.memory_space<vmem>>)
        %add3A_152 = arith.addi %mul3A_2, %while3A_73 : i32
        %mul3A_153 = arith.constant 320 : i32
        %mul3A_154 = arith.muli %add3A_152, %mul3A_153 : i32
        %dma_start3A_155 = arith.constant 0 : i32
        %dma_start3A_156 = tpu.memref_slice %arg4[%mul3A_154, %dma_start3A_155] : memref<100000x128xf32, #tpu.memory_space<hbm>> -> memref<320x128xf32, #tpu.memory_space<hbm>>
        %dma_start3A_157 = arith.constant 0 : i32
        %dma_start3A_158 = tpu.memref_slice %arg4[%mul3A_154, %dma_start3A_157] : memref<100000x128xf32, #tpu.memory_space<hbm>> -> memref<320x128xf32, #tpu.memory_space<hbm>>
        tpu.enqueue_dma source(%arg7 : memref<320x128xf32, #tpu.memory_space<vmem>>) target(%dma_start3A_158 : memref<320x128xf32, #tpu.memory_space<hbm>>) target_semaphore(%arg13 : memref<!tpu.dma_semaphore, #tpu.memory_space<semaphore_mem>>)
      } else {
      }
      %jit3A_100 = arith.constant 3 : i32
      %eq3A_101 = arith.constant 0 : i32
      %eq3A_102 = arith.cmpi eq, %jit3A_100, %eq3A_101 : i32
      %jit3A_103 = arith.constant 1 : i32
      %select_n3A_104 = arith.select %eq3A_102, %jit3A_103, %jit3A_100 : i32
      %rem3A_105 = arith.remsi %while3A_73, %select_n3A_104 : i32
      %ne3A_106 = arith.constant 0 : i32
      %ne3A_107 = arith.cmpi ne, %rem3A_105, %ne3A_106 : i32
      %lt3A_108 = arith.constant 0 : i32
      %lt3A_109 = arith.cmpi slt, %rem3A_105, %lt3A_108 : i32
      %lt3A_110 = arith.constant 0 : i32
      %lt3A_111 = arith.cmpi slt, %select_n3A_104, %lt3A_110 : i32
      %ne3A_112 = arith.xori %lt3A_109, %lt3A_111 : i1
      %and3A_113 = arith.andi %ne3A_112, %ne3A_107 : i1
      %add3A_114 = arith.addi %rem3A_105, %select_n3A_104 : i32
      %select_n3A_115 = arith.select %and3A_113, %add3A_114, %rem3A_105 : i32
      %eq3A_116 = arith.constant 1 : i32
      %eq3A_117 = arith.cmpi eq, %select_n3A_115, %eq3A_116 : i32
      %convert_element_type3A_118 = arith.extui %eq3A_117 : i1 to i32
      %cond3A_119 = arith.constant 0 : i32
      %cond3A_120 = arith.cmpi ne, %convert_element_type3A_118, %cond3A_119 : i32
      scf.if %cond3A_120 {
        %mul3A_142 = arith.constant 320 : i32
        %mul3A_143 = arith.muli %while3A_73, %mul3A_142 : i32
        %add3A_144 = arith.constant 0 : i32
        %add3A_145 = arith.addi %mul3A_143, %add3A_144 : i32
        %dma_wait3A = arith.constant 0 : i32
        %dma_wait3A_146 = arith.constant 0 : i32
        %dma_wait3A_147 = tpu.memref_slice %arg8[%dma_wait3A, %dma_wait3A_146] : memref<320x128xf32, #tpu.memory_space<vmem>> -> memref<320x128xf32, #tpu.memory_space<vmem>>
        %dma_wait3A_148 = tpu.memref_slice %arg6[%add3A_145] : memref<3200xi32, #tpu.memory_space<vmem>> -> memref<320xi32, #tpu.memory_space<vmem>>
        %dma_wait3A_149 = arith.constant 0 : i32
        %dma_wait3A_150 = arith.constant 0 : i32
        %dma_wait3A_151 = tpu.memref_slice %arg5[%dma_wait3A_149, %dma_wait3A_150] : memref<8x128xf32, #tpu.memory_space<vmem_shared>> -> memref<8x128xf32, #tpu.memory_space<vmem_shared>>
        tpu.wait_indirect_dma semaphore(%arg11 : memref<!tpu.dma_semaphore, #tpu.memory_space<semaphore_mem>>) src(%dma_wait3A_151 : memref<8x128xf32, #tpu.memory_space<vmem_shared>>) dst(%dma_wait3A_147 : memref<320x128xf32, #tpu.memory_space<vmem>>)
        %add3A_152 = arith.addi %mul3A_2, %while3A_73 : i32
        %mul3A_153 = arith.constant 320 : i32
        %mul3A_154 = arith.muli %add3A_152, %mul3A_153 : i32
        %dma_start3A_155 = arith.constant 0 : i32
        %dma_start3A_156 = tpu.memref_slice %arg4[%mul3A_154, %dma_start3A_155] : memref<100000x128xf32, #tpu.memory_space<hbm>> -> memref<320x128xf32, #tpu.memory_space<hbm>>
        %dma_start3A_157 = arith.constant 0 : i32
        %dma_start3A_158 = tpu.memref_slice %arg4[%mul3A_154, %dma_start3A_157] : memref<100000x128xf32, #tpu.memory_space<hbm>> -> memref<320x128xf32, #tpu.memory_space<hbm>>
        tpu.enqueue_dma source(%arg8 : memref<320x128xf32, #tpu.memory_space<vmem>>) target(%dma_start3A_158 : memref<320x128xf32, #tpu.memory_space<hbm>>) target_semaphore(%arg14 : memref<!tpu.dma_semaphore, #tpu.memory_space<semaphore_mem>>)
      } else {
      }
      %jit3A_121 = arith.constant 3 : i32
      %eq3A_122 = arith.constant 0 : i32
      %eq3A_123 = arith.cmpi eq, %jit3A_121, %eq3A_122 : i32
      %jit3A_124 = arith.constant 1 : i32
      %select_n3A_125 = arith.select %eq3A_123, %jit3A_124, %jit3A_121 : i32
      %rem3A_126 = arith.remsi %while3A_73, %select_n3A_125 : i32
      %ne3A_127 = arith.constant 0 : i32
      %ne3A_128 = arith.cmpi ne, %rem3A_126, %ne3A_127 : i32
      %lt3A_129 = arith.constant 0 : i32
      %lt3A_130 = arith.cmpi slt, %rem3A_126, %lt3A_129 : i32
      %lt3A_131 = arith.constant 0 : i32
      %lt3A_132 = arith.cmpi slt, %select_n3A_125, %lt3A_131 : i32
      %ne3A_133 = arith.xori %lt3A_130, %lt3A_132 : i1
      %and3A_134 = arith.andi %ne3A_133, %ne3A_128 : i1
      %add3A_135 = arith.addi %rem3A_126, %select_n3A_125 : i32
      %select_n3A_136 = arith.select %and3A_134, %add3A_135, %rem3A_126 : i32
      %eq3A_137 = arith.constant 2 : i32
      %eq3A_138 = arith.cmpi eq, %select_n3A_136, %eq3A_137 : i32
      %convert_element_type3A_139 = arith.extui %eq3A_138 : i1 to i32
      %cond3A_140 = arith.constant 0 : i32
      %cond3A_141 = arith.cmpi ne, %convert_element_type3A_139, %cond3A_140 : i32
      scf.if %cond3A_141 {
        %mul3A_142 = arith.constant 320 : i32
        %mul3A_143 = arith.muli %while3A_73, %mul3A_142 : i32
        %add3A_144 = arith.constant 0 : i32
        %add3A_145 = arith.addi %mul3A_143, %add3A_144 : i32
        %dma_wait3A = arith.constant 0 : i32
        %dma_wait3A_146 = arith.constant 0 : i32
        %dma_wait3A_147 = tpu.memref_slice %arg9[%dma_wait3A, %dma_wait3A_146] : memref<320x128xf32, #tpu.memory_space<vmem>> -> memref<320x128xf32, #tpu.memory_space<vmem>>
        %dma_wait3A_148 = tpu.memref_slice %arg6[%add3A_145] : memref<3200xi32, #tpu.memory_space<vmem>> -> memref<320xi32, #tpu.memory_space<vmem>>
        %dma_wait3A_149 = arith.constant 0 : i32
        %dma_wait3A_150 = arith.constant 0 : i32
        %dma_wait3A_151 = tpu.memref_slice %arg5[%dma_wait3A_149, %dma_wait3A_150] : memref<8x128xf32, #tpu.memory_space<vmem_shared>> -> memref<8x128xf32, #tpu.memory_space<vmem_shared>>
        tpu.wait_indirect_dma semaphore(%arg12 : memref<!tpu.dma_semaphore, #tpu.memory_space<semaphore_mem>>) src(%dma_wait3A_151 : memref<8x128xf32, #tpu.memory_space<vmem_shared>>) dst(%dma_wait3A_147 : memref<320x128xf32, #tpu.memory_space<vmem>>)
        %add3A_152 = arith.addi %mul3A_2, %while3A_73 : i32
        %mul3A_153 = arith.constant 320 : i32
        %mul3A_154 = arith.muli %add3A_152, %mul3A_153 : i32
        %dma_start3A_155 = arith.constant 0 : i32
        %dma_start3A_156 = tpu.memref_slice %arg4[%mul3A_154, %dma_start3A_155] : memref<100000x128xf32, #tpu.memory_space<hbm>> -> memref<320x128xf32, #tpu.memory_space<hbm>>
        %dma_start3A_157 = arith.constant 0 : i32
        %dma_start3A_158 = tpu.memref_slice %arg4[%mul3A_154, %dma_start3A_157] : memref<100000x128xf32, #tpu.memory_space<hbm>> -> memref<320x128xf32, #tpu.memory_space<hbm>>
        tpu.enqueue_dma source(%arg9 : memref<320x128xf32, #tpu.memory_space<vmem>>) target(%dma_start3A_158 : memref<320x128xf32, #tpu.memory_space<hbm>>) target_semaphore(%arg15 : memref<!tpu.dma_semaphore, #tpu.memory_space<semaphore_mem>>)
      } else {
      }
    }
    %while3A_55 = arith.constant 1 : i32
    scf.for %while3A_73 = %while3A_53 to %while3A_49 step %while3A_55  : i32 {
      %ge3A = arith.constant 1 : i32
      %ge3A_74 = arith.cmpi sge, %while3A_73, %ge3A : i32
      %sub3A_75 = arith.constant 1 : i32
      %sub3A_76 = arith.subi %while3A_73, %sub3A_75 : i32
      %add3A_77 = arith.constant 3 : i32
      %add3A_78 = arith.addi %sub3A_76, %add3A_77 : i32
      %lt3A_79 = arith.cmpi slt, %add3A_78, %min3A_4 : i32
      %and3A = arith.andi %ge3A_74, %lt3A_79 : i1
      %convert_element_type3A_80 = arith.extui %and3A : i1 to i32
      %cond3A_81 = arith.constant 0 : i32
      %cond3A_82 = arith.cmpi ne, %convert_element_type3A_80, %cond3A_81 : i32
      scf.if %cond3A_82 {
        %sub3A_142 = arith.constant 1 : i32
        %sub3A_143 = arith.subi %while3A_73, %sub3A_142 : i32
        %jit3A_144 = arith.constant 3 : i32
        %eq3A_145 = arith.constant 0 : i32
        %eq3A_146 = arith.cmpi eq, %jit3A_144, %eq3A_145 : i32
        %jit3A_147 = arith.constant 1 : i32
        %select_n3A_148 = arith.select %eq3A_146, %jit3A_147, %jit3A_144 : i32
        %rem3A_149 = arith.remsi %sub3A_143, %select_n3A_148 : i32
        %ne3A_150 = arith.constant 0 : i32
        %ne3A_151 = arith.cmpi ne, %rem3A_149, %ne3A_150 : i32
        %lt3A_152 = arith.constant 0 : i32
        %lt3A_153 = arith.cmpi slt, %rem3A_149, %lt3A_152 : i32
        %lt3A_154 = arith.constant 0 : i32
        %lt3A_155 = arith.cmpi slt, %select_n3A_148, %lt3A_154 : i32
        %ne3A_156 = arith.xori %lt3A_153, %lt3A_155 : i1
        %and3A_157 = arith.andi %ne3A_156, %ne3A_151 : i1
        %add3A_158 = arith.addi %rem3A_149, %select_n3A_148 : i32
        %select_n3A_159 = arith.select %and3A_157, %add3A_158, %rem3A_149 : i32
        %eq3A_160 = arith.constant 0 : i32
        %eq3A_161 = arith.cmpi eq, %select_n3A_159, %eq3A_160 : i32
        %convert_element_type3A_162 = arith.extui %eq3A_161 : i1 to i32
        %cond3A_163 = arith.constant 0 : i32
        %cond3A_164 = arith.cmpi ne, %convert_element_type3A_162, %cond3A_163 : i32
        scf.if %cond3A_164 {
          %sub3A_211 = arith.constant 1 : i32
          %sub3A_212 = arith.subi %while3A_73, %sub3A_211 : i32
          %add3A_213 = arith.addi %mul3A_2, %sub3A_212 : i32
          %mul3A_214 = arith.constant 320 : i32
          %mul3A_215 = arith.muli %add3A_213, %mul3A_214 : i32
          %dma_wait3A = arith.constant 0 : i32
          %dma_wait3A_216 = tpu.memref_slice %arg4[%mul3A_215, %dma_wait3A] : memref<100000x128xf32, #tpu.memory_space<hbm>> -> memref<320x128xf32, #tpu.memory_space<hbm>>
          %dma_wait3A_217 = arith.constant 0 : i32
          %dma_wait3A_218 = tpu.memref_slice %arg4[%mul3A_215, %dma_wait3A_217] : memref<100000x128xf32, #tpu.memory_space<hbm>> -> memref<320x128xf32, #tpu.memory_space<hbm>>
          tpu.wait_dma2 semaphore(%arg13 : memref<!tpu.dma_semaphore, #tpu.memory_space<semaphore_mem>>) src(%arg7 : memref<320x128xf32, #tpu.memory_space<vmem>>) dst(%dma_wait3A_218 : memref<320x128xf32, #tpu.memory_space<hbm>>)
          %sub3A_219 = arith.constant 1 : i32
          %sub3A_220 = arith.subi %while3A_73, %sub3A_219 : i32
          %add3A_221 = arith.constant 3 : i32
          %add3A_222 = arith.addi %sub3A_220, %add3A_221 : i32
          %mul3A_223 = arith.constant 320 : i32
          %mul3A_224 = arith.muli %add3A_222, %mul3A_223 : i32
          %add3A_225 = arith.constant 0 : i32
          %add3A_226 = arith.addi %mul3A_224, %add3A_225 : i32
          %dma_start3A_227 = arith.constant 0 : i32
          %dma_start3A_228 = arith.constant 0 : i32
          %dma_start3A_229 = tpu.memref_slice %arg7[%dma_start3A_227, %dma_start3A_228] : memref<320x128xf32, #tpu.memory_space<vmem>> -> memref<320x128xf32, #tpu.memory_space<vmem>>
          %dma_start3A_230 = tpu.memref_slice %arg6[%add3A_226] : memref<3200xi32, #tpu.memory_space<vmem>> -> memref<320xi32, #tpu.memory_space<vmem>>
          %dma_start3A_231 = arith.constant 0 : i32
          %dma_start3A_232 = arith.constant 0 : i32
          %dma_start3A_233 = tpu.memref_slice %arg5[%dma_start3A_231, %dma_start3A_232] : memref<8x128xf32, #tpu.memory_space<vmem_shared>> -> memref<8x128xf32, #tpu.memory_space<vmem_shared>>
          tpu.enqueue_indirect_dma source(%dma_start3A_233 : memref<8x128xf32, #tpu.memory_space<vmem_shared>>) target(%dma_start3A_229 : memref<320x128xf32, #tpu.memory_space<vmem>>) offsets(%dma_start3A_230 : memref<320xi32, #tpu.memory_space<vmem>>) semaphore(%arg10 : memref<!tpu.dma_semaphore, #tpu.memory_space<semaphore_mem>>)
        } else {
        }
        %sub3A_165 = arith.constant 1 : i32
        %sub3A_166 = arith.subi %while3A_73, %sub3A_165 : i32
        %jit3A_167 = arith.constant 3 : i32
        %eq3A_168 = arith.constant 0 : i32
        %eq3A_169 = arith.cmpi eq, %jit3A_167, %eq3A_168 : i32
        %jit3A_170 = arith.constant 1 : i32
        %select_n3A_171 = arith.select %eq3A_169, %jit3A_170, %jit3A_167 : i32
        %rem3A_172 = arith.remsi %sub3A_166, %select_n3A_171 : i32
        %ne3A_173 = arith.constant 0 : i32
        %ne3A_174 = arith.cmpi ne, %rem3A_172, %ne3A_173 : i32
        %lt3A_175 = arith.constant 0 : i32
        %lt3A_176 = arith.cmpi slt, %rem3A_172, %lt3A_175 : i32
        %lt3A_177 = arith.constant 0 : i32
        %lt3A_178 = arith.cmpi slt, %select_n3A_171, %lt3A_177 : i32
        %ne3A_179 = arith.xori %lt3A_176, %lt3A_178 : i1
        %and3A_180 = arith.andi %ne3A_179, %ne3A_174 : i1
        %add3A_181 = arith.addi %rem3A_172, %select_n3A_171 : i32
        %select_n3A_182 = arith.select %and3A_180, %add3A_181, %rem3A_172 : i32
        %eq3A_183 = arith.constant 1 : i32
        %eq3A_184 = arith.cmpi eq, %select_n3A_182, %eq3A_183 : i32
        %convert_element_type3A_185 = arith.extui %eq3A_184 : i1 to i32
        %cond3A_186 = arith.constant 0 : i32
        %cond3A_187 = arith.cmpi ne, %convert_element_type3A_185, %cond3A_186 : i32
        scf.if %cond3A_187 {
          %sub3A_211 = arith.constant 1 : i32
          %sub3A_212 = arith.subi %while3A_73, %sub3A_211 : i32
          %add3A_213 = arith.addi %mul3A_2, %sub3A_212 : i32
          %mul3A_214 = arith.constant 320 : i32
          %mul3A_215 = arith.muli %add3A_213, %mul3A_214 : i32
          %dma_wait3A = arith.constant 0 : i32
          %dma_wait3A_216 = tpu.memref_slice %arg4[%mul3A_215, %dma_wait3A] : memref<100000x128xf32, #tpu.memory_space<hbm>> -> memref<320x128xf32, #tpu.memory_space<hbm>>
          %dma_wait3A_217 = arith.constant 0 : i32
          %dma_wait3A_218 = tpu.memref_slice %arg4[%mul3A_215, %dma_wait3A_217] : memref<100000x128xf32, #tpu.memory_space<hbm>> -> memref<320x128xf32, #tpu.memory_space<hbm>>
          tpu.wait_dma2 semaphore(%arg14 : memref<!tpu.dma_semaphore, #tpu.memory_space<semaphore_mem>>) src(%arg8 : memref<320x128xf32, #tpu.memory_space<vmem>>) dst(%dma_wait3A_218 : memref<320x128xf32, #tpu.memory_space<hbm>>)
          %sub3A_219 = arith.constant 1 : i32
          %sub3A_220 = arith.subi %while3A_73, %sub3A_219 : i32
          %add3A_221 = arith.constant 3 : i32
          %add3A_222 = arith.addi %sub3A_220, %add3A_221 : i32
          %mul3A_223 = arith.constant 320 : i32
          %mul3A_224 = arith.muli %add3A_222, %mul3A_223 : i32
          %add3A_225 = arith.constant 0 : i32
          %add3A_226 = arith.addi %mul3A_224, %add3A_225 : i32
          %dma_start3A_227 = arith.constant 0 : i32
          %dma_start3A_228 = arith.constant 0 : i32
          %dma_start3A_229 = tpu.memref_slice %arg8[%dma_start3A_227, %dma_start3A_228] : memref<320x128xf32, #tpu.memory_space<vmem>> -> memref<320x128xf32, #tpu.memory_space<vmem>>
          %dma_start3A_230 = tpu.memref_slice %arg6[%add3A_226] : memref<3200xi32, #tpu.memory_space<vmem>> -> memref<320xi32, #tpu.memory_space<vmem>>
          %dma_start3A_231 = arith.constant 0 : i32
          %dma_start3A_232 = arith.constant 0 : i32
          %dma_start3A_233 = tpu.memref_slice %arg5[%dma_start3A_231, %dma_start3A_232] : memref<8x128xf32, #tpu.memory_space<vmem_shared>> -> memref<8x128xf32, #tpu.memory_space<vmem_shared>>
          tpu.enqueue_indirect_dma source(%dma_start3A_233 : memref<8x128xf32, #tpu.memory_space<vmem_shared>>) target(%dma_start3A_229 : memref<320x128xf32, #tpu.memory_space<vmem>>) offsets(%dma_start3A_230 : memref<320xi32, #tpu.memory_space<vmem>>) semaphore(%arg11 : memref<!tpu.dma_semaphore, #tpu.memory_space<semaphore_mem>>)
        } else {
        }
        %sub3A_188 = arith.constant 1 : i32
        %sub3A_189 = arith.subi %while3A_73, %sub3A_188 : i32
        %jit3A_190 = arith.constant 3 : i32
        %eq3A_191 = arith.constant 0 : i32
        %eq3A_192 = arith.cmpi eq, %jit3A_190, %eq3A_191 : i32
        %jit3A_193 = arith.constant 1 : i32
        %select_n3A_194 = arith.select %eq3A_192, %jit3A_193, %jit3A_190 : i32
        %rem3A_195 = arith.remsi %sub3A_189, %select_n3A_194 : i32
        %ne3A_196 = arith.constant 0 : i32
        %ne3A_197 = arith.cmpi ne, %rem3A_195, %ne3A_196 : i32
        %lt3A_198 = arith.constant 0 : i32
        %lt3A_199 = arith.cmpi slt, %rem3A_195, %lt3A_198 : i32
        %lt3A_200 = arith.constant 0 : i32
        %lt3A_201 = arith.cmpi slt, %select_n3A_194, %lt3A_200 : i32
        %ne3A_202 = arith.xori %lt3A_199, %lt3A_201 : i1
        %and3A_203 = arith.andi %ne3A_202, %ne3A_197 : i1
        %add3A_204 = arith.addi %rem3A_195, %select_n3A_194 : i32
        %select_n3A_205 = arith.select %and3A_203, %add3A_204, %rem3A_195 : i32
        %eq3A_206 = arith.constant 2 : i32
        %eq3A_207 = arith.cmpi eq, %select_n3A_205, %eq3A_206 : i32
        %convert_element_type3A_208 = arith.extui %eq3A_207 : i1 to i32
        %cond3A_209 = arith.constant 0 : i32
        %cond3A_210 = arith.cmpi ne, %convert_element_type3A_208, %cond3A_209 : i32
        scf.if %cond3A_210 {
          %sub3A_211 = arith.constant 1 : i32
          %sub3A_212 = arith.subi %while3A_73, %sub3A_211 : i32
          %add3A_213 = arith.addi %mul3A_2, %sub3A_212 : i32
          %mul3A_214 = arith.constant 320 : i32
          %mul3A_215 = arith.muli %add3A_213, %mul3A_214 : i32
          %dma_wait3A = arith.constant 0 : i32
          %dma_wait3A_216 = tpu.memref_slice %arg4[%mul3A_215, %dma_wait3A] : memref<100000x128xf32, #tpu.memory_space<hbm>> -> memref<320x128xf32, #tpu.memory_space<hbm>>
          %dma_wait3A_217 = arith.constant 0 : i32
          %dma_wait3A_218 = tpu.memref_slice %arg4[%mul3A_215, %dma_wait3A_217] : memref<100000x128xf32, #tpu.memory_space<hbm>> -> memref<320x128xf32, #tpu.memory_space<hbm>>
          tpu.wait_dma2 semaphore(%arg15 : memref<!tpu.dma_semaphore, #tpu.memory_space<semaphore_mem>>) src(%arg9 : memref<320x128xf32, #tpu.memory_space<vmem>>) dst(%dma_wait3A_218 : memref<320x128xf32, #tpu.memory_space<hbm>>)
          %sub3A_219 = arith.constant 1 : i32
          %sub3A_220 = arith.subi %while3A_73, %sub3A_219 : i32
          %add3A_221 = arith.constant 3 : i32
          %add3A_222 = arith.addi %sub3A_220, %add3A_221 : i32
          %mul3A_223 = arith.constant 320 : i32
          %mul3A_224 = arith.muli %add3A_222, %mul3A_223 : i32
          %add3A_225 = arith.constant 0 : i32
          %add3A_226 = arith.addi %mul3A_224, %add3A_225 : i32
          %dma_start3A_227 = arith.constant 0 : i32
          %dma_start3A_228 = arith.constant 0 : i32
          %dma_start3A_229 = tpu.memref_slice %arg9[%dma_start3A_227, %dma_start3A_228] : memref<320x128xf32, #tpu.memory_space<vmem>> -> memref<320x128xf32, #tpu.memory_space<vmem>>
          %dma_start3A_230 = tpu.memref_slice %arg6[%add3A_226] : memref<3200xi32, #tpu.memory_space<vmem>> -> memref<320xi32, #tpu.memory_space<vmem>>
          %dma_start3A_231 = arith.constant 0 : i32
          %dma_start3A_232 = arith.constant 0 : i32
          %dma_start3A_233 = tpu.memref_slice %arg5[%dma_start3A_231, %dma_start3A_232] : memref<8x128xf32, #tpu.memory_space<vmem_shared>> -> memref<8x128xf32, #tpu.memory_space<vmem_shared>>
          tpu.enqueue_indirect_dma source(%dma_start3A_233 : memref<8x128xf32, #tpu.memory_space<vmem_shared>>) target(%dma_start3A_229 : memref<320x128xf32, #tpu.memory_space<vmem>>) offsets(%dma_start3A_230 : memref<320xi32, #tpu.memory_space<vmem>>) semaphore(%arg12 : memref<!tpu.dma_semaphore, #tpu.memory_space<semaphore_mem>>)
        } else {
        }
      } else {
      }
      %jit3A = arith.constant 3 : i32
      %eq3A_83 = arith.constant 0 : i32
      %eq3A_84 = arith.cmpi eq, %jit3A, %eq3A_83 : i32
      %jit3A_85 = arith.constant 1 : i32
      %select_n3A = arith.select %eq3A_84, %jit3A_85, %jit3A : i32
      %rem3A = arith.remsi %while3A_73, %select_n3A : i32
      %ne3A = arith.constant 0 : i32
      %ne3A_86 = arith.cmpi ne, %rem3A, %ne3A : i32
      %lt3A_87 = arith.constant 0 : i32
      %lt3A_88 = arith.cmpi slt, %rem3A, %lt3A_87 : i32
      %lt3A_89 = arith.constant 0 : i32
      %lt3A_90 = arith.cmpi slt, %select_n3A, %lt3A_89 : i32
      %ne3A_91 = arith.xori %lt3A_88, %lt3A_90 : i1
      %and3A_92 = arith.andi %ne3A_91, %ne3A_86 : i1
      %add3A_93 = arith.addi %rem3A, %select_n3A : i32
      %select_n3A_94 = arith.select %and3A_92, %add3A_93, %rem3A : i32
      %eq3A_95 = arith.constant 0 : i32
      %eq3A_96 = arith.cmpi eq, %select_n3A_94, %eq3A_95 : i32
      %convert_element_type3A_97 = arith.extui %eq3A_96 : i1 to i32
      %cond3A_98 = arith.constant 0 : i32
      %cond3A_99 = arith.cmpi ne, %convert_element_type3A_97, %cond3A_98 : i32
      scf.if %cond3A_99 {
        %mul3A_142 = arith.constant 320 : i32
        %mul3A_143 = arith.muli %while3A_73, %mul3A_142 : i32
        %add3A_144 = arith.constant 0 : i32
        %add3A_145 = arith.addi %mul3A_143, %add3A_144 : i32
        %dma_wait3A = arith.constant 0 : i32
        %dma_wait3A_146 = arith.constant 0 : i32
        %dma_wait3A_147 = tpu.memref_slice %arg7[%dma_wait3A, %dma_wait3A_146] : memref<320x128xf32, #tpu.memory_space<vmem>> -> memref<320x128xf32, #tpu.memory_space<vmem>>
        %dma_wait3A_148 = tpu.memref_slice %arg6[%add3A_145] : memref<3200xi32, #tpu.memory_space<vmem>> -> memref<320xi32, #tpu.memory_space<vmem>>
        %dma_wait3A_149 = arith.constant 0 : i32
        %dma_wait3A_150 = arith.constant 0 : i32
        %dma_wait3A_151 = tpu.memref_slice %arg5[%dma_wait3A_149, %dma_wait3A_150] : memref<8x128xf32, #tpu.memory_space<vmem_shared>> -> memref<8x128xf32, #tpu.memory_space<vmem_shared>>
        tpu.wait_indirect_dma semaphore(%arg10 : memref<!tpu.dma_semaphore, #tpu.memory_space<semaphore_mem>>) src(%dma_wait3A_151 : memref<8x128xf32, #tpu.memory_space<vmem_shared>>) dst(%dma_wait3A_147 : memref<320x128xf32, #tpu.memory_space<vmem>>)
        %add3A_152 = arith.addi %mul3A_2, %while3A_73 : i32
        %mul3A_153 = arith.constant 320 : i32
        %mul3A_154 = arith.muli %add3A_152, %mul3A_153 : i32
        %dma_start3A_155 = arith.constant 0 : i32
        %dma_start3A_156 = tpu.memref_slice %arg4[%mul3A_154, %dma_start3A_155] : memref<100000x128xf32, #tpu.memory_space<hbm>> -> memref<320x128xf32, #tpu.memory_space<hbm>>
        %dma_start3A_157 = arith.constant 0 : i32
        %dma_start3A_158 = tpu.memref_slice %arg4[%mul3A_154, %dma_start3A_157] : memref<100000x128xf32, #tpu.memory_space<hbm>> -> memref<320x128xf32, #tpu.memory_space<hbm>>
        tpu.enqueue_dma source(%arg7 : memref<320x128xf32, #tpu.memory_space<vmem>>) target(%dma_start3A_158 : memref<320x128xf32, #tpu.memory_space<hbm>>) target_semaphore(%arg13 : memref<!tpu.dma_semaphore, #tpu.memory_space<semaphore_mem>>)
      } else {
      }
      %jit3A_100 = arith.constant 3 : i32
      %eq3A_101 = arith.constant 0 : i32
      %eq3A_102 = arith.cmpi eq, %jit3A_100, %eq3A_101 : i32
      %jit3A_103 = arith.constant 1 : i32
      %select_n3A_104 = arith.select %eq3A_102, %jit3A_103, %jit3A_100 : i32
      %rem3A_105 = arith.remsi %while3A_73, %select_n3A_104 : i32
      %ne3A_106 = arith.constant 0 : i32
      %ne3A_107 = arith.cmpi ne, %rem3A_105, %ne3A_106 : i32
      %lt3A_108 = arith.constant 0 : i32
      %lt3A_109 = arith.cmpi slt, %rem3A_105, %lt3A_108 : i32
      %lt3A_110 = arith.constant 0 : i32
      %lt3A_111 = arith.cmpi slt, %select_n3A_104, %lt3A_110 : i32
      %ne3A_112 = arith.xori %lt3A_109, %lt3A_111 : i1
      %and3A_113 = arith.andi %ne3A_112, %ne3A_107 : i1
      %add3A_114 = arith.addi %rem3A_105, %select_n3A_104 : i32
      %select_n3A_115 = arith.select %and3A_113, %add3A_114, %rem3A_105 : i32
      %eq3A_116 = arith.constant 1 : i32
      %eq3A_117 = arith.cmpi eq, %select_n3A_115, %eq3A_116 : i32
      %convert_element_type3A_118 = arith.extui %eq3A_117 : i1 to i32
      %cond3A_119 = arith.constant 0 : i32
      %cond3A_120 = arith.cmpi ne, %convert_element_type3A_118, %cond3A_119 : i32
      scf.if %cond3A_120 {
        %mul3A_142 = arith.constant 320 : i32
        %mul3A_143 = arith.muli %while3A_73, %mul3A_142 : i32
        %add3A_144 = arith.constant 0 : i32
        %add3A_145 = arith.addi %mul3A_143, %add3A_144 : i32
        %dma_wait3A = arith.constant 0 : i32
        %dma_wait3A_146 = arith.constant 0 : i32
        %dma_wait3A_147 = tpu.memref_slice %arg8[%dma_wait3A, %dma_wait3A_146] : memref<320x128xf32, #tpu.memory_space<vmem>> -> memref<320x128xf32, #tpu.memory_space<vmem>>
        %dma_wait3A_148 = tpu.memref_slice %arg6[%add3A_145] : memref<3200xi32, #tpu.memory_space<vmem>> -> memref<320xi32, #tpu.memory_space<vmem>>
        %dma_wait3A_149 = arith.constant 0 : i32
        %dma_wait3A_150 = arith.constant 0 : i32
        %dma_wait3A_151 = tpu.memref_slice %arg5[%dma_wait3A_149, %dma_wait3A_150] : memref<8x128xf32, #tpu.memory_space<vmem_shared>> -> memref<8x128xf32, #tpu.memory_space<vmem_shared>>
        tpu.wait_indirect_dma semaphore(%arg11 : memref<!tpu.dma_semaphore, #tpu.memory_space<semaphore_mem>>) src(%dma_wait3A_151 : memref<8x128xf32, #tpu.memory_space<vmem_shared>>) dst(%dma_wait3A_147 : memref<320x128xf32, #tpu.memory_space<vmem>>)
        %add3A_152 = arith.addi %mul3A_2, %while3A_73 : i32
        %mul3A_153 = arith.constant 320 : i32
        %mul3A_154 = arith.muli %add3A_152, %mul3A_153 : i32
        %dma_start3A_155 = arith.constant 0 : i32
        %dma_start3A_156 = tpu.memref_slice %arg4[%mul3A_154, %dma_start3A_155] : memref<100000x128xf32, #tpu.memory_space<hbm>> -> memref<320x128xf32, #tpu.memory_space<hbm>>
        %dma_start3A_157 = arith.constant 0 : i32
        %dma_start3A_158 = tpu.memref_slice %arg4[%mul3A_154, %dma_start3A_157] : memref<100000x128xf32, #tpu.memory_space<hbm>> -> memref<320x128xf32, #tpu.memory_space<hbm>>
        tpu.enqueue_dma source(%arg8 : memref<320x128xf32, #tpu.memory_space<vmem>>) target(%dma_start3A_158 : memref<320x128xf32, #tpu.memory_space<hbm>>) target_semaphore(%arg14 : memref<!tpu.dma_semaphore, #tpu.memory_space<semaphore_mem>>)
      } else {
      }
      %jit3A_121 = arith.constant 3 : i32
      %eq3A_122 = arith.constant 0 : i32
      %eq3A_123 = arith.cmpi eq, %jit3A_121, %eq3A_122 : i32
      %jit3A_124 = arith.constant 1 : i32
      %select_n3A_125 = arith.select %eq3A_123, %jit3A_124, %jit3A_121 : i32
      %rem3A_126 = arith.remsi %while3A_73, %select_n3A_125 : i32
      %ne3A_127 = arith.constant 0 : i32
      %ne3A_128 = arith.cmpi ne, %rem3A_126, %ne3A_127 : i32
      %lt3A_129 = arith.constant 0 : i32
      %lt3A_130 = arith.cmpi slt, %rem3A_126, %lt3A_129 : i32
      %lt3A_131 = arith.constant 0 : i32
      %lt3A_132 = arith.cmpi slt, %select_n3A_125, %lt3A_131 : i32
      %ne3A_133 = arith.xori %lt3A_130, %lt3A_132 : i1
      %and3A_134 = arith.andi %ne3A_133, %ne3A_128 : i1
      %add3A_135 = arith.addi %rem3A_126, %select_n3A_125 : i32
      %select_n3A_136 = arith.select %and3A_134, %add3A_135, %rem3A_126 : i32
      %eq3A_137 = arith.constant 2 : i32
      %eq3A_138 = arith.cmpi eq, %select_n3A_136, %eq3A_137 : i32
      %convert_element_type3A_139 = arith.extui %eq3A_138 : i1 to i32
      %cond3A_140 = arith.constant 0 : i32
      %cond3A_141 = arith.cmpi ne, %convert_element_type3A_139, %cond3A_140 : i32
      scf.if %cond3A_141 {
        %mul3A_142 = arith.constant 320 : i32
        %mul3A_143 = arith.muli %while3A_73, %mul3A_142 : i32
        %add3A_144 = arith.constant 0 : i32
        %add3A_145 = arith.addi %mul3A_143, %add3A_144 : i32
        %dma_wait3A = arith.constant 0 : i32
        %dma_wait3A_146 = arith.constant 0 : i32
        %dma_wait3A_147 = tpu.memref_slice %arg9[%dma_wait3A, %dma_wait3A_146] : memref<320x128xf32, #tpu.memory_space<vmem>> -> memref<320x128xf32, #tpu.memory_space<vmem>>
        %dma_wait3A_148 = tpu.memref_slice %arg6[%add3A_145] : memref<3200xi32, #tpu.memory_space<vmem>> -> memref<320xi32, #tpu.memory_space<vmem>>
        %dma_wait3A_149 = arith.constant 0 : i32
        %dma_wait3A_150 = arith.constant 0 : i32
        %dma_wait3A_151 = tpu.memref_slice %arg5[%dma_wait3A_149, %dma_wait3A_150] : memref<8x128xf32, #tpu.memory_space<vmem_shared>> -> memref<8x128xf32, #tpu.memory_space<vmem_shared>>
        tpu.wait_indirect_dma semaphore(%arg12 : memref<!tpu.dma_semaphore, #tpu.memory_space<semaphore_mem>>) src(%dma_wait3A_151 : memref<8x128xf32, #tpu.memory_space<vmem_shared>>) dst(%dma_wait3A_147 : memref<320x128xf32, #tpu.memory_space<vmem>>)
        %add3A_152 = arith.addi %mul3A_2, %while3A_73 : i32
        %mul3A_153 = arith.constant 320 : i32
        %mul3A_154 = arith.muli %add3A_152, %mul3A_153 : i32
        %dma_start3A_155 = arith.constant 0 : i32
        %dma_start3A_156 = tpu.memref_slice %arg4[%mul3A_154, %dma_start3A_155] : memref<100000x128xf32, #tpu.memory_space<hbm>> -> memref<320x128xf32, #tpu.memory_space<hbm>>
        %dma_start3A_157 = arith.constant 0 : i32
        %dma_start3A_158 = tpu.memref_slice %arg4[%mul3A_154, %dma_start3A_157] : memref<100000x128xf32, #tpu.memory_space<hbm>> -> memref<320x128xf32, #tpu.memory_space<hbm>>
        tpu.enqueue_dma source(%arg9 : memref<320x128xf32, #tpu.memory_space<vmem>>) target(%dma_start3A_158 : memref<320x128xf32, #tpu.memory_space<hbm>>) target_semaphore(%arg15 : memref<!tpu.dma_semaphore, #tpu.memory_space<semaphore_mem>>)
      } else {
      }
    }
    %sub3A_56 = arith.constant 3 : i32
    %sub3A_57 = arith.subi %min3A_4, %sub3A_56 : i32
    %max3A = arith.constant 0 : i32
    %max3A_58 = arith.maxsi %sub3A_57, %max3A : i32
    %while3A_59 = arith.constant 0 : i32
    %while3A_60 = arith.subi %min3A_4, %max3A_58 : i32
    %while3A_61 = arith.addi %max3A_58, %while3A_60 : i32
    %while3A_62 = arith.constant 1 : i32
    %while3A_63 = arith.divsi %while3A_60, %while3A_62 : i32
    %while3A_64 = arith.muli %while3A_63, %while3A_62 : i32
    %while3A_65 = arith.addi %max3A_58, %while3A_64 : i32
    %while3A_66 = arith.constant 1 : i32
    scf.for %while3A_73 = %max3A_58 to %while3A_65 step %while3A_66  : i32 {
      %jit3A = arith.constant 3 : i32
      %eq3A_74 = arith.constant 0 : i32
      %eq3A_75 = arith.cmpi eq, %jit3A, %eq3A_74 : i32
      %jit3A_76 = arith.constant 1 : i32
      %select_n3A = arith.select %eq3A_75, %jit3A_76, %jit3A : i32
      %rem3A = arith.remsi %while3A_73, %select_n3A : i32
      %ne3A = arith.constant 0 : i32
      %ne3A_77 = arith.cmpi ne, %rem3A, %ne3A : i32
      %lt3A_78 = arith.constant 0 : i32
      %lt3A_79 = arith.cmpi slt, %rem3A, %lt3A_78 : i32
      %lt3A_80 = arith.constant 0 : i32
      %lt3A_81 = arith.cmpi slt, %select_n3A, %lt3A_80 : i32
      %ne3A_82 = arith.xori %lt3A_79, %lt3A_81 : i1
      %and3A = arith.andi %ne3A_82, %ne3A_77 : i1
      %add3A_83 = arith.addi %rem3A, %select_n3A : i32
      %select_n3A_84 = arith.select %and3A, %add3A_83, %rem3A : i32
      %eq3A_85 = arith.constant 0 : i32
      %eq3A_86 = arith.cmpi eq, %select_n3A_84, %eq3A_85 : i32
      %convert_element_type3A_87 = arith.extui %eq3A_86 : i1 to i32
      %cond3A_88 = arith.constant 0 : i32
      %cond3A_89 = arith.cmpi ne, %convert_element_type3A_87, %cond3A_88 : i32
      scf.if %cond3A_89 {
        %add3A_132 = arith.addi %mul3A_2, %while3A_73 : i32
        %mul3A_133 = arith.constant 320 : i32
        %mul3A_134 = arith.muli %add3A_132, %mul3A_133 : i32
        %dma_wait3A = arith.constant 0 : i32
        %dma_wait3A_135 = tpu.memref_slice %arg4[%mul3A_134, %dma_wait3A] : memref<100000x128xf32, #tpu.memory_space<hbm>> -> memref<320x128xf32, #tpu.memory_space<hbm>>
        %dma_wait3A_136 = arith.constant 0 : i32
        %dma_wait3A_137 = tpu.memref_slice %arg4[%mul3A_134, %dma_wait3A_136] : memref<100000x128xf32, #tpu.memory_space<hbm>> -> memref<320x128xf32, #tpu.memory_space<hbm>>
        tpu.wait_dma2 semaphore(%arg13 : memref<!tpu.dma_semaphore, #tpu.memory_space<semaphore_mem>>) src(%arg7 : memref<320x128xf32, #tpu.memory_space<vmem>>) dst(%dma_wait3A_137 : memref<320x128xf32, #tpu.memory_space<hbm>>)
      } else {
      }
      %jit3A_90 = arith.constant 3 : i32
      %eq3A_91 = arith.constant 0 : i32
      %eq3A_92 = arith.cmpi eq, %jit3A_90, %eq3A_91 : i32
      %jit3A_93 = arith.constant 1 : i32
      %select_n3A_94 = arith.select %eq3A_92, %jit3A_93, %jit3A_90 : i32
      %rem3A_95 = arith.remsi %while3A_73, %select_n3A_94 : i32
      %ne3A_96 = arith.constant 0 : i32
      %ne3A_97 = arith.cmpi ne, %rem3A_95, %ne3A_96 : i32
      %lt3A_98 = arith.constant 0 : i32
      %lt3A_99 = arith.cmpi slt, %rem3A_95, %lt3A_98 : i32
      %lt3A_100 = arith.constant 0 : i32
      %lt3A_101 = arith.cmpi slt, %select_n3A_94, %lt3A_100 : i32
      %ne3A_102 = arith.xori %lt3A_99, %lt3A_101 : i1
      %and3A_103 = arith.andi %ne3A_102, %ne3A_97 : i1
      %add3A_104 = arith.addi %rem3A_95, %select_n3A_94 : i32
      %select_n3A_105 = arith.select %and3A_103, %add3A_104, %rem3A_95 : i32
      %eq3A_106 = arith.constant 1 : i32
      %eq3A_107 = arith.cmpi eq, %select_n3A_105, %eq3A_106 : i32
      %convert_element_type3A_108 = arith.extui %eq3A_107 : i1 to i32
      %cond3A_109 = arith.constant 0 : i32
      %cond3A_110 = arith.cmpi ne, %convert_element_type3A_108, %cond3A_109 : i32
      scf.if %cond3A_110 {
        %add3A_132 = arith.addi %mul3A_2, %while3A_73 : i32
        %mul3A_133 = arith.constant 320 : i32
        %mul3A_134 = arith.muli %add3A_132, %mul3A_133 : i32
        %dma_wait3A = arith.constant 0 : i32
        %dma_wait3A_135 = tpu.memref_slice %arg4[%mul3A_134, %dma_wait3A] : memref<100000x128xf32, #tpu.memory_space<hbm>> -> memref<320x128xf32, #tpu.memory_space<hbm>>
        %dma_wait3A_136 = arith.constant 0 : i32
        %dma_wait3A_137 = tpu.memref_slice %arg4[%mul3A_134, %dma_wait3A_136] : memref<100000x128xf32, #tpu.memory_space<hbm>> -> memref<320x128xf32, #tpu.memory_space<hbm>>
        tpu.wait_dma2 semaphore(%arg14 : memref<!tpu.dma_semaphore, #tpu.memory_space<semaphore_mem>>) src(%arg8 : memref<320x128xf32, #tpu.memory_space<vmem>>) dst(%dma_wait3A_137 : memref<320x128xf32, #tpu.memory_space<hbm>>)
      } else {
      }
      %jit3A_111 = arith.constant 3 : i32
      %eq3A_112 = arith.constant 0 : i32
      %eq3A_113 = arith.cmpi eq, %jit3A_111, %eq3A_112 : i32
      %jit3A_114 = arith.constant 1 : i32
      %select_n3A_115 = arith.select %eq3A_113, %jit3A_114, %jit3A_111 : i32
      %rem3A_116 = arith.remsi %while3A_73, %select_n3A_115 : i32
      %ne3A_117 = arith.constant 0 : i32
      %ne3A_118 = arith.cmpi ne, %rem3A_116, %ne3A_117 : i32
      %lt3A_119 = arith.constant 0 : i32
      %lt3A_120 = arith.cmpi slt, %rem3A_116, %lt3A_119 : i32
      %lt3A_121 = arith.constant 0 : i32
      %lt3A_122 = arith.cmpi slt, %select_n3A_115, %lt3A_121 : i32
      %ne3A_123 = arith.xori %lt3A_120, %lt3A_122 : i1
      %and3A_124 = arith.andi %ne3A_123, %ne3A_118 : i1
      %add3A_125 = arith.addi %rem3A_116, %select_n3A_115 : i32
      %select_n3A_126 = arith.select %and3A_124, %add3A_125, %rem3A_116 : i32
      %eq3A_127 = arith.constant 2 : i32
      %eq3A_128 = arith.cmpi eq, %select_n3A_126, %eq3A_127 : i32
      %convert_element_type3A_129 = arith.extui %eq3A_128 : i1 to i32
      %cond3A_130 = arith.constant 0 : i32
      %cond3A_131 = arith.cmpi ne, %convert_element_type3A_129, %cond3A_130 : i32
      scf.if %cond3A_131 {
        %add3A_132 = arith.addi %mul3A_2, %while3A_73 : i32
        %mul3A_133 = arith.constant 320 : i32
        %mul3A_134 = arith.muli %add3A_132, %mul3A_133 : i32
        %dma_wait3A = arith.constant 0 : i32
        %dma_wait3A_135 = tpu.memref_slice %arg4[%mul3A_134, %dma_wait3A] : memref<100000x128xf32, #tpu.memory_space<hbm>> -> memref<320x128xf32, #tpu.memory_space<hbm>>
        %dma_wait3A_136 = arith.constant 0 : i32
        %dma_wait3A_137 = tpu.memref_slice %arg4[%mul3A_134, %dma_wait3A_136] : memref<100000x128xf32, #tpu.memory_space<hbm>> -> memref<320x128xf32, #tpu.memory_space<hbm>>
        tpu.wait_dma2 semaphore(%arg15 : memref<!tpu.dma_semaphore, #tpu.memory_space<semaphore_mem>>) src(%arg9 : memref<320x128xf32, #tpu.memory_space<vmem>>) dst(%dma_wait3A_137 : memref<320x128xf32, #tpu.memory_space<hbm>>)
      } else {
      }
    }
    %while3A_67 = arith.constant 1 : i32
    scf.for %while3A_73 = %while3A_65 to %while3A_61 step %while3A_67  : i32 {
      %jit3A = arith.constant 3 : i32
      %eq3A_74 = arith.constant 0 : i32
      %eq3A_75 = arith.cmpi eq, %jit3A, %eq3A_74 : i32
      %jit3A_76 = arith.constant 1 : i32
      %select_n3A = arith.select %eq3A_75, %jit3A_76, %jit3A : i32
      %rem3A = arith.remsi %while3A_73, %select_n3A : i32
      %ne3A = arith.constant 0 : i32
      %ne3A_77 = arith.cmpi ne, %rem3A, %ne3A : i32
      %lt3A_78 = arith.constant 0 : i32
      %lt3A_79 = arith.cmpi slt, %rem3A, %lt3A_78 : i32
      %lt3A_80 = arith.constant 0 : i32
      %lt3A_81 = arith.cmpi slt, %select_n3A, %lt3A_80 : i32
      %ne3A_82 = arith.xori %lt3A_79, %lt3A_81 : i1
      %and3A = arith.andi %ne3A_82, %ne3A_77 : i1
      %add3A_83 = arith.addi %rem3A, %select_n3A : i32
      %select_n3A_84 = arith.select %and3A, %add3A_83, %rem3A : i32
      %eq3A_85 = arith.constant 0 : i32
      %eq3A_86 = arith.cmpi eq, %select_n3A_84, %eq3A_85 : i32
      %convert_element_type3A_87 = arith.extui %eq3A_86 : i1 to i32
      %cond3A_88 = arith.constant 0 : i32
      %cond3A_89 = arith.cmpi ne, %convert_element_type3A_87, %cond3A_88 : i32
      scf.if %cond3A_89 {
        %add3A_132 = arith.addi %mul3A_2, %while3A_73 : i32
        %mul3A_133 = arith.constant 320 : i32
        %mul3A_134 = arith.muli %add3A_132, %mul3A_133 : i32
        %dma_wait3A = arith.constant 0 : i32
        %dma_wait3A_135 = tpu.memref_slice %arg4[%mul3A_134, %dma_wait3A] : memref<100000x128xf32, #tpu.memory_space<hbm>> -> memref<320x128xf32, #tpu.memory_space<hbm>>
        %dma_wait3A_136 = arith.constant 0 : i32
        %dma_wait3A_137 = tpu.memref_slice %arg4[%mul3A_134, %dma_wait3A_136] : memref<100000x128xf32, #tpu.memory_space<hbm>> -> memref<320x128xf32, #tpu.memory_space<hbm>>
        tpu.wait_dma2 semaphore(%arg13 : memref<!tpu.dma_semaphore, #tpu.memory_space<semaphore_mem>>) src(%arg7 : memref<320x128xf32, #tpu.memory_space<vmem>>) dst(%dma_wait3A_137 : memref<320x128xf32, #tpu.memory_space<hbm>>)
      } else {
      }
      %jit3A_90 = arith.constant 3 : i32
      %eq3A_91 = arith.constant 0 : i32
      %eq3A_92 = arith.cmpi eq, %jit3A_90, %eq3A_91 : i32
      %jit3A_93 = arith.constant 1 : i32
      %select_n3A_94 = arith.select %eq3A_92, %jit3A_93, %jit3A_90 : i32
      %rem3A_95 = arith.remsi %while3A_73, %select_n3A_94 : i32
      %ne3A_96 = arith.constant 0 : i32
      %ne3A_97 = arith.cmpi ne, %rem3A_95, %ne3A_96 : i32
      %lt3A_98 = arith.constant 0 : i32
      %lt3A_99 = arith.cmpi slt, %rem3A_95, %lt3A_98 : i32
      %lt3A_100 = arith.constant 0 : i32
      %lt3A_101 = arith.cmpi slt, %select_n3A_94, %lt3A_100 : i32
      %ne3A_102 = arith.xori %lt3A_99, %lt3A_101 : i1
      %and3A_103 = arith.andi %ne3A_102, %ne3A_97 : i1
      %add3A_104 = arith.addi %rem3A_95, %select_n3A_94 : i32
      %select_n3A_105 = arith.select %and3A_103, %add3A_104, %rem3A_95 : i32
      %eq3A_106 = arith.constant 1 : i32
      %eq3A_107 = arith.cmpi eq, %select_n3A_105, %eq3A_106 : i32
      %convert_element_type3A_108 = arith.extui %eq3A_107 : i1 to i32
      %cond3A_109 = arith.constant 0 : i32
      %cond3A_110 = arith.cmpi ne, %convert_element_type3A_108, %cond3A_109 : i32
      scf.if %cond3A_110 {
        %add3A_132 = arith.addi %mul3A_2, %while3A_73 : i32
        %mul3A_133 = arith.constant 320 : i32
        %mul3A_134 = arith.muli %add3A_132, %mul3A_133 : i32
        %dma_wait3A = arith.constant 0 : i32
        %dma_wait3A_135 = tpu.memref_slice %arg4[%mul3A_134, %dma_wait3A] : memref<100000x128xf32, #tpu.memory_space<hbm>> -> memref<320x128xf32, #tpu.memory_space<hbm>>
        %dma_wait3A_136 = arith.constant 0 : i32
        %dma_wait3A_137 = tpu.memref_slice %arg4[%mul3A_134, %dma_wait3A_136] : memref<100000x128xf32, #tpu.memory_space<hbm>> -> memref<320x128xf32, #tpu.memory_space<hbm>>
        tpu.wait_dma2 semaphore(%arg14 : memref<!tpu.dma_semaphore, #tpu.memory_space<semaphore_mem>>) src(%arg8 : memref<320x128xf32, #tpu.memory_space<vmem>>) dst(%dma_wait3A_137 : memref<320x128xf32, #tpu.memory_space<hbm>>)
      } else {
      }
      %jit3A_111 = arith.constant 3 : i32
      %eq3A_112 = arith.constant 0 : i32
      %eq3A_113 = arith.cmpi eq, %jit3A_111, %eq3A_112 : i32
      %jit3A_114 = arith.constant 1 : i32
      %select_n3A_115 = arith.select %eq3A_113, %jit3A_114, %jit3A_111 : i32
      %rem3A_116 = arith.remsi %while3A_73, %select_n3A_115 : i32
      %ne3A_117 = arith.constant 0 : i32
      %ne3A_118 = arith.cmpi ne, %rem3A_116, %ne3A_117 : i32
      %lt3A_119 = arith.constant 0 : i32
      %lt3A_120 = arith.cmpi slt, %rem3A_116, %lt3A_119 : i32
      %lt3A_121 = arith.constant 0 : i32
      %lt3A_122 = arith.cmpi slt, %select_n3A_115, %lt3A_121 : i32
      %ne3A_123 = arith.xori %lt3A_120, %lt3A_122 : i1
      %and3A_124 = arith.andi %ne3A_123, %ne3A_118 : i1
      %add3A_125 = arith.addi %rem3A_116, %select_n3A_115 : i32
      %select_n3A_126 = arith.select %and3A_124, %add3A_125, %rem3A_116 : i32
      %eq3A_127 = arith.constant 2 : i32
      %eq3A_128 = arith.cmpi eq, %select_n3A_126, %eq3A_127 : i32
      %convert_element_type3A_129 = arith.extui %eq3A_128 : i1 to i32
      %cond3A_130 = arith.constant 0 : i32
      %cond3A_131 = arith.cmpi ne, %convert_element_type3A_129, %cond3A_130 : i32
      scf.if %cond3A_131 {
        %add3A_132 = arith.addi %mul3A_2, %while3A_73 : i32
        %mul3A_133 = arith.constant 320 : i32
        %mul3A_134 = arith.muli %add3A_132, %mul3A_133 : i32
        %dma_wait3A = arith.constant 0 : i32
        %dma_wait3A_135 = tpu.memref_slice %arg4[%mul3A_134, %dma_wait3A] : memref<100000x128xf32, #tpu.memory_space<hbm>> -> memref<320x128xf32, #tpu.memory_space<hbm>>
        %dma_wait3A_136 = arith.constant 0 : i32
        %dma_wait3A_137 = tpu.memref_slice %arg4[%mul3A_134, %dma_wait3A_136] : memref<100000x128xf32, #tpu.memory_space<hbm>> -> memref<320x128xf32, #tpu.memory_space<hbm>>
        tpu.wait_dma2 semaphore(%arg15 : memref<!tpu.dma_semaphore, #tpu.memory_space<semaphore_mem>>) src(%arg9 : memref<320x128xf32, #tpu.memory_space<vmem>>) dst(%dma_wait3A_137 : memref<320x128xf32, #tpu.memory_space<hbm>>)
      } else {
      }
    }
    %eq3A_68 = arith.constant 31 : i32
    %eq3A_69 = arith.cmpi eq, %add3A, %eq3A_68 : i32
    %convert_element_type3A_70 = arith.extui %eq3A_69 : i1 to i32
    %cond3A_71 = arith.constant 0 : i32
    %cond3A_72 = arith.cmpi ne, %convert_element_type3A_70, %cond3A_71 : i32
    scf.if %cond3A_72 {
      %dma_start3A_73 = arith.constant 0 : i32
      %dma_start3A_74 = arith.constant 0 : i32
      %dma_start3A_75 = tpu.memref_slice %arg7[%dma_start3A_73, %dma_start3A_74] : memref<320x128xf32, #tpu.memory_space<vmem>> -> memref<128x128xf32, #tpu.memory_space<vmem>>
      %dma_start3A_76 = arith.constant 640 : i32
      %dma_start3A_77 = tpu.memref_slice %arg6[%dma_start3A_76] : memref<3200xi32, #tpu.memory_space<vmem>> -> memref<128xi32, #tpu.memory_space<vmem>>
      %dma_start3A_78 = arith.constant 0 : i32
      %dma_start3A_79 = arith.constant 0 : i32
      %dma_start3A_80 = tpu.memref_slice %arg5[%dma_start3A_78, %dma_start3A_79] : memref<8x128xf32, #tpu.memory_space<vmem_shared>> -> memref<8x128xf32, #tpu.memory_space<vmem_shared>>
      tpu.enqueue_indirect_dma source(%dma_start3A_80 : memref<8x128xf32, #tpu.memory_space<vmem_shared>>) target(%dma_start3A_75 : memref<128x128xf32, #tpu.memory_space<vmem>>) offsets(%dma_start3A_77 : memref<128xi32, #tpu.memory_space<vmem>>) semaphore(%arg10 : memref<!tpu.dma_semaphore, #tpu.memory_space<semaphore_mem>>)
      %dma_start3A_81 = arith.constant 128 : i32
      %dma_start3A_82 = arith.constant 0 : i32
      %dma_start3A_83 = tpu.memref_slice %arg7[%dma_start3A_81, %dma_start3A_82] : memref<320x128xf32, #tpu.memory_space<vmem>> -> memref<32x128xf32, #tpu.memory_space<vmem>>
      %dma_start3A_84 = arith.constant 768 : i32
      %dma_start3A_85 = tpu.memref_slice %arg6[%dma_start3A_84] : memref<3200xi32, #tpu.memory_space<vmem>> -> memref<32xi32, #tpu.memory_space<vmem>>
      %dma_start3A_86 = arith.constant 0 : i32
      %dma_start3A_87 = arith.constant 0 : i32
      %dma_start3A_88 = tpu.memref_slice %arg5[%dma_start3A_86, %dma_start3A_87] : memref<8x128xf32, #tpu.memory_space<vmem_shared>> -> memref<8x128xf32, #tpu.memory_space<vmem_shared>>
      tpu.enqueue_indirect_dma source(%dma_start3A_88 : memref<8x128xf32, #tpu.memory_space<vmem_shared>>) target(%dma_start3A_83 : memref<32x128xf32, #tpu.memory_space<vmem>>) offsets(%dma_start3A_85 : memref<32xi32, #tpu.memory_space<vmem>>) semaphore(%arg10 : memref<!tpu.dma_semaphore, #tpu.memory_space<semaphore_mem>>)
      %dma_wait3A = arith.constant 0 : i32
      %dma_wait3A_89 = arith.constant 0 : i32
      %dma_wait3A_90 = tpu.memref_slice %arg7[%dma_wait3A, %dma_wait3A_89] : memref<320x128xf32, #tpu.memory_space<vmem>> -> memref<128x128xf32, #tpu.memory_space<vmem>>
      %dma_wait3A_91 = arith.constant 640 : i32
      %dma_wait3A_92 = tpu.memref_slice %arg6[%dma_wait3A_91] : memref<3200xi32, #tpu.memory_space<vmem>> -> memref<128xi32, #tpu.memory_space<vmem>>
      %dma_wait3A_93 = arith.constant 0 : i32
      %dma_wait3A_94 = arith.constant 0 : i32
      %dma_wait3A_95 = tpu.memref_slice %arg5[%dma_wait3A_93, %dma_wait3A_94] : memref<8x128xf32, #tpu.memory_space<vmem_shared>> -> memref<8x128xf32, #tpu.memory_space<vmem_shared>>
      tpu.wait_indirect_dma semaphore(%arg10 : memref<!tpu.dma_semaphore, #tpu.memory_space<semaphore_mem>>) src(%dma_wait3A_95 : memref<8x128xf32, #tpu.memory_space<vmem_shared>>) dst(%dma_wait3A_90 : memref<128x128xf32, #tpu.memory_space<vmem>>)
      %dma_wait3A_96 = arith.constant 128 : i32
      %dma_wait3A_97 = arith.constant 0 : i32
      %dma_wait3A_98 = tpu.memref_slice %arg7[%dma_wait3A_96, %dma_wait3A_97] : memref<320x128xf32, #tpu.memory_space<vmem>> -> memref<32x128xf32, #tpu.memory_space<vmem>>
      %dma_wait3A_99 = arith.constant 768 : i32
      %dma_wait3A_100 = tpu.memref_slice %arg6[%dma_wait3A_99] : memref<3200xi32, #tpu.memory_space<vmem>> -> memref<32xi32, #tpu.memory_space<vmem>>
      %dma_wait3A_101 = arith.constant 0 : i32
      %dma_wait3A_102 = arith.constant 0 : i32
      %dma_wait3A_103 = tpu.memref_slice %arg5[%dma_wait3A_101, %dma_wait3A_102] : memref<8x128xf32, #tpu.memory_space<vmem_shared>> -> memref<8x128xf32, #tpu.memory_space<vmem_shared>>
      tpu.wait_indirect_dma semaphore(%arg10 : memref<!tpu.dma_semaphore, #tpu.memory_space<semaphore_mem>>) src(%dma_wait3A_103 : memref<8x128xf32, #tpu.memory_space<vmem_shared>>) dst(%dma_wait3A_98 : memref<32x128xf32, #tpu.memory_space<vmem>>)
      "tpu.region"() ({
        %run_scoped3A = tpu.sem_alloc : memref<!tpu.dma_semaphore, #tpu.memory_space<semaphore_mem>>
        %dma_start3A_104 = arith.constant 0 : i32
        %dma_start3A_105 = arith.constant 0 : i32
        %dma_start3A_106 = tpu.memref_slice %arg7[%dma_start3A_104, %dma_start3A_105] : memref<320x128xf32, #tpu.memory_space<vmem>> -> memref<160x128xf32, #tpu.memory_space<vmem>>
        %dma_start3A_107 = arith.constant 99840 : i32
        %dma_start3A_108 = arith.constant 0 : i32
        %dma_start3A_109 = tpu.memref_slice %arg4[%dma_start3A_107, %dma_start3A_108] : memref<100000x128xf32, #tpu.memory_space<hbm>> -> memref<160x128xf32, #tpu.memory_space<hbm>>
        %dma_start3A_110 = arith.constant 99840 : i32
        %dma_start3A_111 = arith.constant 0 : i32
        %dma_start3A_112 = tpu.memref_slice %arg4[%dma_start3A_110, %dma_start3A_111] : memref<100000x128xf32, #tpu.memory_space<hbm>> -> memref<160x128xf32, #tpu.memory_space<hbm>>
        %dma_start3A_113 = arith.constant 0 : i32
        %dma_start3A_114 = arith.constant 0 : i32
        %dma_start3A_115 = tpu.memref_slice %arg7[%dma_start3A_113, %dma_start3A_114] : memref<320x128xf32, #tpu.memory_space<vmem>> -> memref<160x128xf32, #tpu.memory_space<vmem>>
        tpu.enqueue_dma source(%dma_start3A_115 : memref<160x128xf32, #tpu.memory_space<vmem>>) target(%dma_start3A_112 : memref<160x128xf32, #tpu.memory_space<hbm>>) target_semaphore(%run_scoped3A : memref<!tpu.dma_semaphore, #tpu.memory_space<semaphore_mem>>)
        %dma_wait3A_116 = arith.constant 0 : i32
        %dma_wait3A_117 = arith.constant 0 : i32
        %dma_wait3A_118 = tpu.memref_slice %arg7[%dma_wait3A_116, %dma_wait3A_117] : memref<320x128xf32, #tpu.memory_space<vmem>> -> memref<160x128xf32, #tpu.memory_space<vmem>>
        %dma_wait3A_119 = arith.constant 99840 : i32
        %dma_wait3A_120 = arith.constant 0 : i32
        %dma_wait3A_121 = tpu.memref_slice %arg4[%dma_wait3A_119, %dma_wait3A_120] : memref<100000x128xf32, #tpu.memory_space<hbm>> -> memref<160x128xf32, #tpu.memory_space<hbm>>
        %dma_wait3A_122 = arith.constant 99840 : i32
        %dma_wait3A_123 = arith.constant 0 : i32
        %dma_wait3A_124 = tpu.memref_slice %arg4[%dma_wait3A_122, %dma_wait3A_123] : memref<100000x128xf32, #tpu.memory_space<hbm>> -> memref<160x128xf32, #tpu.memory_space<hbm>>
        %dma_wait3A_125 = arith.constant 0 : i32
        %dma_wait3A_126 = arith.constant 0 : i32
        %dma_wait3A_127 = tpu.memref_slice %arg7[%dma_wait3A_125, %dma_wait3A_126] : memref<320x128xf32, #tpu.memory_space<vmem>> -> memref<160x128xf32, #tpu.memory_space<vmem>>
        tpu.wait_dma2 semaphore(%run_scoped3A : memref<!tpu.dma_semaphore, #tpu.memory_space<semaphore_mem>>) src(%dma_wait3A_127 : memref<160x128xf32, #tpu.memory_space<vmem>>) dst(%dma_wait3A_124 : memref<160x128xf32, #tpu.memory_space<hbm>>)
        tpu.yield
      }) : () -> ()
    } else {
    }
    return
  }
}

module attributes {stable_mosaic.version = 14 : i64} {
  func.func @_ln_table_kernel(%arg0: memref<8x128xf32, #tpu.memory_space<vmem>>, %arg1: memref<8x128xf32, #tpu.memory_space<vmem>>, %arg2: memref<8x128xf32, #tpu.memory_space<vmem>>, %arg3: memref<8x128xf32, #tpu.memory_space<vmem>>) attributes {dimension_semantics = [], scalar_prefetch = 0 : i64, scratch_operands = 0 : i64, tpu.core_type = #tpu.core_type<tc>} {
    %get3A = arith.constant 0 : index
    %get3A_0 = arith.constant 0 : index
    %get3A_1 = vector.load %arg0[%get3A, %get3A_0] : memref<8x128xf32, #tpu.memory_space<vmem>>, vector<8x128xf32>
    %mul3A = arith.constant 11.3137083 : f32
    %mul3A_2 = vector.broadcast %mul3A : f32 to vector<8x128xf32>
    %mul3A_3 = arith.mulf %get3A_1, %mul3A_2 : vector<8x128xf32>
    %reduce_sum3A = arith.constant dense<0.000000e+00> : vector<8xf32>
    %reduce_sum3A_4 = vector.multi_reduction <add>, %mul3A_3, %reduce_sum3A [1] : vector<8x128xf32> to vector<8xf32>
    %broadcast_in_dim3A = vector.shape_cast %reduce_sum3A_4 : vector<8xf32> to vector<8x1xf32>
    %div3A = arith.constant 1.280000e+02 : f32
    %div3A_5 = vector.broadcast %div3A : f32 to vector<8x1xf32>
    %div3A_6 = arith.divf %broadcast_in_dim3A, %div3A_5 : vector<8x1xf32>
    %sub3A = vector.broadcast %div3A_6 : vector<8x1xf32> to vector<8x128xf32>
    %sub3A_7 = arith.subf %mul3A_3, %sub3A : vector<8x128xf32>
    %mul3A_8 = arith.mulf %sub3A_7, %sub3A_7 : vector<8x128xf32>
    %reduce_sum3A_9 = arith.constant dense<0.000000e+00> : vector<8xf32>
    %reduce_sum3A_10 = vector.multi_reduction <add>, %mul3A_8, %reduce_sum3A_9 [1] : vector<8x128xf32> to vector<8xf32>
    %broadcast_in_dim3A_11 = vector.shape_cast %reduce_sum3A_10 : vector<8xf32> to vector<8x1xf32>
    %div3A_12 = arith.constant 1.280000e+02 : f32
    %div3A_13 = vector.broadcast %div3A_12 : f32 to vector<8x1xf32>
    %div3A_14 = arith.divf %broadcast_in_dim3A_11, %div3A_13 : vector<8x1xf32>
    %add3A = arith.constant 9.99999974E-6 : f32
    %add3A_15 = vector.broadcast %add3A : f32 to vector<8x1xf32>
    %add3A_16 = arith.addf %div3A_14, %add3A_15 : vector<8x1xf32>
    %rsqrt3A = math.rsqrt %add3A_16 : vector<8x1xf32>
    %mul3A_17 = vector.broadcast %rsqrt3A : vector<8x1xf32> to vector<8x128xf32>
    %mul3A_18 = arith.mulf %sub3A_7, %mul3A_17 : vector<8x128xf32>
    %get3A_19 = arith.constant 0 : index
    %get3A_20 = arith.constant 0 : index
    %get3A_21 = vector.load %arg1[%get3A_19, %get3A_20] : memref<8x128xf32, #tpu.memory_space<vmem>>, vector<8x128xf32>
    %mul3A_22 = arith.mulf %mul3A_18, %get3A_21 : vector<8x128xf32>
    %get3A_23 = arith.constant 0 : index
    %get3A_24 = arith.constant 0 : index
    %get3A_25 = vector.load %arg2[%get3A_23, %get3A_24] : memref<8x128xf32, #tpu.memory_space<vmem>>, vector<8x128xf32>
    %add3A_26 = arith.addf %mul3A_22, %get3A_25 : vector<8x128xf32>
    %swap3A = arith.constant 0 : index
    %swap3A_27 = arith.constant 0 : index
    %swap3A_28 = vector.load %arg3[%swap3A, %swap3A_27] : memref<8x128xf32, #tpu.memory_space<vmem>>, vector<8x128xf32>
    tpu.vector_store %arg3[%swap3A, %swap3A_27], %add3A_26 {strides = array<i32>} : memref<8x128xf32, #tpu.memory_space<vmem>>, vector<8x128xf32>,
    return
  }
}

</mosaic_0001>

<sc_bundles>
// kernel: kernel.4.cloned.1.call-start
scs
__scs_entry_jumppad:
0x0: {  	(pc) =	sbr.rel $0x88, $3  }
0x1: {  	(tag) =	ssettag $0x0;
	lr =	simm.s32 $0x1  }
0x2: {  	[smem:$0x3F9D] =	sst lr;
	_ =	strace $0xD0000000  }
0x3: {  	_ = 	snop  }
0x4: {  	_ = 	snop  }
0x5: {  	_ = 	snop  }
0x6: {  	_ = 	snop  }
0x7: {  	_ = 	snop  }
__scs_overlays_trampoline_lowered:
0x8: {  	[smem:$0x3FAC] =	sst s0  }
0x9: {  	[smem:$0x3FAD] =	sst s1  }
0xa: {  	[smem:$0x3FAE] =	sst s2  }
0xb: {  	[smem:$0x3FAF] =	sst s3  }
0xc: {  	[smem:$0x3FB0] =	sst s4  }
0xd: {  	[smem:$0x3FB1] =	sst s5  }
0xe: {  	[smem:$0x3FB2] =	sst s6  }
0xf: {  	[smem:$0x3FB3] =	sst s7  }
0x10: {  	[smem:$0x3FB4] =	sst s8  }
0x11: {  	[smem:$0x3FB5] =	sst s9;
	s0 =	simm.s32 @!p0 $0x0  }
0x12: {  	s1 =	sld [smem:$0x3F9B];
	s0 =	simm.s32 @p0 $0x1  }
0x13: {  	[smem:$0x3FB6] =	sst s0;
	s0 =	simm.s32 @!p1 $0x0  }
0x14: {  	s2 =	sld [smem:$0x3F9A];
	s0 =	simm.s32 @p1 $0x1  }
0x15: {  	[smem:$0x3FB7] =	sst s0;
	s0 =	simm.s32 @!p2 $0x0  }
0x16: {  	s3 =	sld [smem:$0x3FDB];
	s0 =	simm.s32 @p2 $0x1  }
0x17: {  	s4 =	simm.s32 $0x1BF5;
	[smem:$0x3FB9] =	sst s0  }
0x18: {  	s0 =	sld [smem:$0x3F9C];
	_ =	swait.ge [sflag:s4], $0x0  }
0x19: {  	s7 =	sld [smem:$0x3F9D]  }
0x1a: {  	s8 =	sadd.s32 $0xFFFFE003, lr  }
0x1b: {  	s9 =	sadd.s32 $0xFFFFFEF7, lr;
	s5 =	simm.s32 $0xFFFFFFFF;
	p2 =	slt.u32 s8, $0xFFFFF086  }
0x1c: {  	p1 =	slt.u32 s9, $0xF7A;
	s5 =	simm.s32 @!p2 $0x0  }
0x1d: {  	s5 =	simm.s32 @p1 $0x1;
	p0 =	seq.s32 s7, s2  }
0x1e: {  	s7 =	smul.u32 @!p0 $0xF7A, s2;
	p2 =	seq.s32 @!p0 s5, $0x0  }
0x1f: {  	s9 =	smul.u32 $0xF7A, s1;
	s8 =	simm.s32 @!p0 $0x1BF5;
	p2 =	por !p2, p0  }
0x20: {  	[sflag:s8] =	ssyncset.s32 @!p0 $0xFFFFF086;
	s6 =	sadd.s32 @!p0 s3, s7;
	s7 =	simm.s32 @!p0 $0x108  }
0x21: {  	s3 =	sadd.s32 s3, s9;
	s6 =	sadd.s32 @!p0 $0x88, s6;
	s7 =	simm.s32 @p2 $0x1082  }
0x22: {  	[simem:s7], [sflag:s8] =	dma.local @!p0 [hbm:s6], $0xF7A  }
0x23: {  	s9 =	sor.u32 $0xD0000000, s2;
	s6 =	simm.s32 $0x108;
	_ =	swait.ge @!p0 [sflag:s8], $0x0  }
0x24: {  	s3 =	sadd.s32 $0x88, s3;
	s6 =	simm.s32 @!p1 $0x1082;
	[sflag:s4] =	ssyncset.s32 $0xFFFFF086  }
0x25: {  	[simem:s6], [sflag:s4] =	dma.local [hbm:s3], $0xF7A  }
0x26: {  	[smem:$0x3F9D] =	sst s1;
	(tag) =	ssettag s2;
	_ =	strace s9  }
0x27: {  	s1 =	sld [smem:$0x3FAD]  }
0x28: {  	s2 =	sld [smem:$0x3FAE]  }
0x29: {  	s4 =	sld [smem:$0x3FB0]  }
0x2a: {  	p0 =	seq.s32 s5, $0x0;
	s5 =	sld [smem:$0x3FB1]  }
0x2b: {  	s6 =	sld [smem:$0x3FB2]  }
0x2c: {  	s7 =	sld [smem:$0x3FB3]  }
0x2d: {  	s3 =	simm.s32 $0x108;
	s8 =	sld [smem:$0x3FB4]  }
0x2e: {  	s3 =	simm.s32 @!p0 $0x1082;
	s9 =	sld [smem:$0x3FB5]  }
0x2f: {  	lr =	sadd.s32 s0, s3;
	s0 =	sld [smem:$0x3FAC]  }
0x30: {  	s3 =	sld [smem:$0x3FAF]  }
0x31: {  	[smem:$0x3FB8] =	sst s10  }
0x32: {  	s10 =	sld [smem:$0x3FB6];
	_ =	sdelay $0x3  }
0x33: {  	p0 =	seq.s32 s10, $0x1;
	s10 =	sld [smem:$0x3FB8];
	_ =	sdelay $0x3  }
0x34: {  	[smem:$0x3FB8] =	sst s10  }
0x35: {  	s10 =	sld [smem:$0x3FB7];
	_ =	sdelay $0x3  }
0x36: {  	p1 =	seq.s32 s10, $0x1;
	s10 =	sld [smem:$0x3FB8];
	_ =	sdelay $0x3  }
0x37: {  	[smem:$0x3FB8] =	sst s10  }
0x38: {  	s10 =	sld [smem:$0x3FB9]  }
0x39: {  	_ = 	snop;
	(pc) =	sbr.ind lr, $3  }
0x3a: {  	_ = 	snop  }
0x3b: {  	_ = 	snop  }
0x3c: {  	p2 =	seq.s32 s10, $0x1;
	s10 =	sld [smem:$0x3FB8]  }
0x3d: {  	_ =	shalt  }
0x3e: {  	_ =	shalt  }
0x3f: {  	_ =	shalt  }
0x40: {  	_ =	shalt  }
0x41: {  	_ =	shalt  }
0x42: {  	_ =	shalt  }
0x43: {  	_ =	shalt  }
0x44: {  	_ =	shalt  }
0x45: {  	_ =	shalt  }
0x46: {  	_ =	shalt  }
0x47: {  	_ =	shalt  }
0x48: {  	_ =	shalt  }
0x49: {  	_ =	shalt  }
0x4a: {  	_ =	shalt  }
0x4b: {  	_ =	shalt  }
0x4c: {  	_ =	shalt  }
0x4d: {  	_ =	shalt  }
0x4e: {  	_ =	shalt  }
0x4f: {  	_ =	shalt  }
0x50: {  	_ =	shalt  }
0x51: {  	_ =	shalt  }
0x52: {  	_ =	shalt  }
0x53: {  	_ =	shalt  }
0x54: {  	_ =	shalt  }
0x55: {  	_ =	shalt  }
0x56: {  	_ =	shalt  }
0x57: {  	_ =	shalt  }
0x58: {  	_ =	shalt  }
0x59: {  	_ =	shalt  }
0x5a: {  	_ =	shalt  }
0x5b: {  	_ =	shalt  }
0x5c: {  	_ =	shalt  }
0x5d: {  	_ =	shalt  }
0x5e: {  	_ =	shalt  }
0x5f: {  	_ =	shalt  }
0x60: {  	_ =	shalt  }
0x61: {  	_ =	shalt  }
0x62: {  	_ =	shalt  }
0x63: {  	_ =	shalt  }
0x64: {  	_ =	shalt  }
0x65: {  	_ =	shalt  }
0x66: {  	_ =	shalt  }
0x67: {  	_ =	shalt  }
0x68: {  	_ =	shalt  }
0x69: {  	_ =	shalt  }
0x6a: {  	_ =	shalt  }
0x6b: {  	_ =	shalt  }
0x6c: {  	_ =	shalt  }
0x6d: {  	_ =	shalt  }
0x6e: {  	_ =	shalt  }
0x6f: {  	_ =	shalt  }
0x70: {  	_ =	shalt  }
0x71: {  	_ =	shalt  }
0x72: {  	_ =	shalt  }
0x73: {  	_ =	shalt  }
0x74: {  	_ =	shalt  }
0x75: {  	_ =	shalt  }
0x76: {  	_ =	shalt  }
0x77: {  	_ =	shalt  }
0x78: {  	_ =	shalt  }
0x79: {  	_ =	shalt  }
0x7a: {  	_ =	shalt  }
0x7b: {  	_ =	shalt  }
0x7c: {  	_ =	shalt  }
0x7d: {  	_ =	shalt  }
0x7e: {  	_ =	shalt  }
0x7f: {  	_ =	shalt  }
0x80: {  	_ =	shalt  }
0x81: {  	_ =	shalt  }
0x82: {  	_ =	shalt  }
0x83: {  	_ =	shalt  }
0x84: {  	_ =	shalt  }
0x85: {  	_ =	shalt  }
0x86: {  	_ =	shalt  }
0x87: {  	_ =	shalt  }
.Lfunc_end0:
.L_simem_size_0:
called_computation_lowered:
.L_overlay_start_0:
0x88: {  	s2 =	sld [smem:$0x3FD9]  }
0x89: {  	s3 =	sld [smem:$0x3FFE];
	_ =	sdelay $0x1  }
0x8a: {  	s1 =	srdreg.scid  }
0x8b: {  	s0 =	sand.u32 $0x1, s1  }
0x8c: {  	s17 =	sshll.u32 s0, $0xA;
	s2 =	sadd.s32 s3, s2  }
0x8d: {  	s2 =	sadd.s32 s2, s17  }
0x8e: {  	[smem:$0x3FC4] =	sst s2  }
0x8f: {  	_ = 	snop  }
0x90: {  	s2 =	sld [smem:$0x3FC9]  }
0x91: {  	s18 =	sld [smem:$0x3FD0];
	(tm) =	ssettm $0x1  }
0x92: {  	s4 =	sld [smem:$0x3FFB];
	_ =	sdelay $0x3  }
0x93: {  	_ =	strace s4  }
0x94: {  	s4 =	sld [smem:$0x3FFC];
	_ =	sdelay $0x3  }
0x95: {  	_ =	strace s4  }
0x96: {  	s4 =	sld [smem:$0x3FFD];
	_ =	sdelay $0x3  }
0x97: {  	_ =	strace s4  }
0x98: {  	_ =	strace $0x8FFFFFFF  }
0x99: {  	s19 =	sld [smem:$0x3FDB];
	_ =	sdelay $0x1  }
0x9a: {  	s5 =	simm.s32 $_scs_section_size  }
0x9b: {  	s6 =	simm.s32 $_size__tile_overlayer_lowered;
	s7 =	simm.s32 $_tile_overlayer_lowered  }
0x9c: {  	s22 =	simm.s32 $0x1BFF;
	s21 =	sshll.u32 s7, $0x1;
	s4 =	sadd.s32 s5, s19  }
0x9d: {  	s8 =	simm.s32 $0x0;
	s20 =	sshll.u32 s6, $0x1;
	s6 =	sadd.s32 s21, s4  }
0x9e: {  	[timem:s8], [sflag:s22] =	dma.local [hbm:s6], s20  }
0x9f: {  	_ =	swait.ge [sflag:s22], s20  }
0xa0: {  	s5 =	ssub.s32 $0x0, s20;
	[sflag:s22] =	ssyncset.done $0x0  }
0xa1: {  	[sflag:s22] =	ssyncadd.s32 s5;
	_ =	sdelay $0x1  }
0xa2: {  	s23 =	simm.s32 $0x1B8B  }
0xa3: {  	_ =	swait.ge [sflag:s23], $0x1  }
0xa4: {  	[sflag:s23] =	ssyncset.done $0x0  }
0xa5: {  	s25 =	simm.s32 $0x1B8E;
	s24 =	sld [smem:$0x3FFE];
	[sflag:s23] =	ssyncadd.s32 $0xFFFFFFFF  }
0xa6: {  	s26 =	simm.s32 $execute0_lowered;
	[smem:$0x3FD2] =	sst s25  }
0xa7: {  	s6 =	sshll.u32 s26, $0x1;
	_ =	strace $0x80000046;
	[dreg:$0x1] =	wrdreg $0xFFFFFFFF  }
0xa8: {  	s28 =	simm.s32 $_size_execute0_lowered;
	s4 =	sadd.s32 s4, s6;
	[dreg:$0x0] =	wrdreg $0x0  }
0xa9: {  	s6 =	sshll.u32 s28, $0x1;
	[dreg:$0x2] =	wrdreg s4  }
0xaa: {  	[dreg:$0x3] =	wrdreg s6  }
0xab: {  	[dreg:$0x4] =	wrdreg $0xC0  }
0xac: {  	_ =	task [dreg:s8], $0x5FFFF  }
0xad: {  	[dreg:$0x1] =	wrdreg $0xFFFFFFFF  }
0xae: {  	[dreg:$0x0] =	wrdreg $0x60  }
0xaf: {  	[dreg:$0x2] =	wrdreg s2  }
0xb0: {  	[dreg:$0x3] =	wrdreg s24  }
0xb1: {  	[dreg:$0x4] =	wrdreg s18  }
0xb2: {  	[dreg:$0x5] =	wrdreg $0x0  }
0xb3: {  	[dreg:$0x6] =	wrdreg $0x9  }
0xb4: {  	_ =	task.clear_ibuf [dreg:s8], $0x7FFFF;
	_ =	strace $0x90000046  }
0xb5: {  	s29 =	simm.s32 $0x9;
	_ =	strace $0x80000048  }
0xb6: {  	_ =	swait.ge [sflag:s29], $0x1  }
0xb7: {  	[sflag:s29] =	ssyncadd.s32 $0xFFFFFFFF  }
0xb8: {  	_ =	strace $0x90000048  }
0xb9: {  	_ =	sfence  }
0xba: {  	s30 =	sld [smem:$0x0];
	_ =	sdelay $0x2  }
0xbb: {  	s31 =	sshll.u32 s1, $0xD;
	s1 =	sshrl.u32 s1, $0x2  }
0xbc: {  	s3 =	sand.u32 $0x4000, s31;
	s1 =	sadd.s32 s1, s30  }
0xbd: {  	s0 =	sor.u32 s3, s0;
	s1 =	sshll.u32 s1, $0x11  }
0xbe: {  	s0 =	sor.u32 s1, s0  }
0xbf: {  	s0 =	sadd.s32 $0x8F2B, s0  }
0xc0: {  	[sflag:s0] =	ssyncadd.remote.s32 $0x1  }
0xc1: {  	_ =	sfence.sel $0xFFFF  }
0xc2: {  	[dreg:$0x0] =	wrdreg $0xFFFFFFFF;
	(pc) =	sbr.abs _section_cstart, $3  }
0xc3: {  	[dreg:$0x1] =	wrdreg $0xFFFFFFFF  }
0xc4: {  	_ =	task.clear_ibuf [dreg:s8], $0x2FFFF;
	_ =	strace $0x9FFFFFFF  }
0xc5: {  	(tm) =	ssettm $0x7FFFFFFF  }
tec
execute0_lowered:
.L_overlay_start_1:
0x0: {  	(tag) =	ssettag $0x1  }
0x1: {  	s6 =	rddreg [dreg:$0x0]  }
0x2: {  	s3 =	rddreg [dreg:$0x1]  }
0x3: {  	s10 =	rddreg [dreg:$0x2]  }
0x4: {  	s0 =	srdreg.scid;
	s12 =	stileid.u32  }
0x5: {  	s1 =	rddreg [dreg:$0x3];
	s2 =	simm.s32 $0x0;
	s16 =	simm.s32 $0x5  }
0x6: {  	s17 =	simm.s32 $0xACC0;
	s18 =	simm.s32 $0x4;
	s19 =	simm.s32 $0xCC0  }
0x7: {  	s20 =	simm.s32 $0x3;
	s21 =	simm.s32 $0x2;
	s22 =	simm.s32 $0x1  }
0x8: {  	s23 =	simm.s32 $0x0;
	s5 =	sand.u32 $0x1, s0;
	s0 =	rddreg [dreg:$0x4]  }
0x9: {  	s4 =	sshll.u32 s12, $0x1;
	[smem:$0x7FF] =	sst s2;
	s9 =	smul.u32 $0xC8000, s12  }
0xa: {  	s3 =	sadd.s32 $0xC00, s3;
	s13 =	sor.u32 s5, s4;
	s15 =	smul.u32 $0x64000, s5  }
0xb: {  	p0 =	sne.s32 s12, $0x0;
	_ =	strace $0x80000047;
	s4 =	smul.u32 $0xA, s13  }
0xc: {  	s8 =	ssub.s32 $0x2, s5;
	s12 =	sshrl.u32 @!p0 s1, $0x3;
	s7 =	smul.u32 $0x190, s13  }
0xd: {  	s14 =	sshrl.u32 s8, $0x1;
	p1 =	seq.s32 s13, $0x1F;
	s11 =	ssub.s32 $0x138, s4  }
0xe: {  	p2 =	sne.s32 s13, $0x1F;
	s13 =	simm.s32 $0x6;
	s4 =	smin.u32 s11, $0xA  }
0xf: {  	s14 =	ssub.s32 s8, s14;
	s15 =	sadd.s32 s15, s9;
	s30 =	smax.u32 s4, $0x3  }
.Ltmp0:
0x10: {  	s5 =	sadd.s32 s6, s7;
	s7 =	sadd.s32 $0xFFFFFFFD, s30;
	(pc) =	sbr.rel .LBB2_1-.Ltmp0, $4  }
0x11: {  	s8 =	sadd.s32 $0x186000, s10;
	s6 =	sadd.s32 $0x3070, s6;
	p6 =	sge.u32 s7, s4  }
0x12: {  	s9 =	smax.u32 s14, $0x1;
	s31 =	sshrl.u32 s15, $0x3;
	s24 =	simm.s32 @!p6 $0x0  }
0x13: {  	s14 =	simm.s32 $0x140;
	s15 =	simm.s32 $0x14CC0;
	s24 =	simm.s32 @p6 $0x1  }
0x14: {  	s10 =	sadd.s32 s31, s10;
	s11 =	smin.u32 s11, $0x3;
	[smem:$0x7FD] =	sst s24  }
.LBB2_12:
0x15: {  	_ = 	snop  }
.LBB2_15:
0x16: {  	p3 =	seq.s32 @!p4 s26, $0x2  }
0x17: {  	p3 =	por !p3, p4  }
0x18: {  	s25 =	simm.s32 @!p3 $0x6  }
0x19: {  	s25 =	simm.s32 @p3 $0x5  }
0x1a: {  	[sflag:s24] =	ssyncadd.s32 @p5 $0xFFFF6000;
	s25 =	simm.s32 @p4 $0x4  }
0x1b: {  	_ =	swait.ge [sflag:s25], $0xA000  }
0x1c: {  	s31 =	sld [smem:$0x7FD];
	_ =	sdelay $0x1  }
0x1d: {  	[sflag:s25] =	ssyncset.done $0x0  }
0x1e: {  	[sflag:s25] =	ssyncadd.s32 $0xFFFF6000;
	p6 =	seq.s32 s31, $0x1  }
.LBB2_16:
0x1f: {  	s24 =	simm.s32 @!p2 $0x80;
	s25 =	simm.s32 @!p2 $0x2C0;
	s26 =	simm.s32 @!p2 $0xCC0  }
0x20: {  	[tilespmem:s26], [sflag:$0x1] =	stream.indirect.gather @!p2 [spmem:s1], $0x80, s25, s24, $0xb8;
	[tilespmem:$0x1ECC0] =	vst v63  }
0x21: {  	s28 =	simm.s32 @!p2 $0x4CC0;
	s24 =	simm.s32 @!p2 $0x20;
	s25 =	simm.s32 @!p2 $0x340  }
0x22: {  	[tilespmem:s28], [sflag:$0x1] =	stream.indirect.gather @!p2 [spmem:s1], $0x80, s25, s24, $0xb8;
	[tilespmem:$0x1ECC0] =	vst v63  }
0x23: {  	s24 =	simm.s32 @!p2 $0x1  }
0x24: {  	_ =	swait.ge @!p2 [sflag:s24], $0x4000  }
0x25: {  	[sflag:s24] =	ssyncset.done @!p2 $0x0  }
0x26: {  	[sflag:s24] =	ssyncadd.s32 @!p2 $0xFFFFC000  }
0x27: {  	_ =	swait.ge @!p2 [sflag:s24], $0x1000  }
0x28: {  	s23 =	sadd.s32 $0x1, s23;
	[sflag:s24] =	ssyncset.done @!p2 $0x0  }
0x29: {  	p3 =	sne.s32 s23, s9;
	[sflag:s24] =	ssyncadd.s32 @!p2 $0xFFFFF000;
	s24 =	simm.s32 @!p2 $0x0  }
0x2a: {  	[hbm4b:s8+s24] =	stream.linear.scatter @!p2 [tilespmem:s26], [sflag:$0x7], $0x5000, $0x38;
	[tilespmem:$0x1ECC0] =	vst v63  }
.Ltmp1:
0x2b: {  	_ = 	snop;
	(pc) =	sbr.rel @!p3 .LBB2_17-.Ltmp1, $4  }
0x2c: {  	s24 =	simm.s32 @!p2 $0x7  }
0x2d: {  	_ =	swait.ge @!p2 [sflag:s24], $0x5000  }
0x2e: {  	[sflag:s24] =	ssyncset.done @!p2 $0x0  }
0x2f: {  	[sflag:s24] =	ssyncadd.s32 @!p2 $0xFFFFB000  }
.LBB2_1:
0x30: {  	s24 =	simm.s32 @p1 $0x0;
	s25 =	simm.s32 @p1 $0x40  }
0x31: {  	[tilespmem:s25], [sflag:$0x4] =	stream.linear.gather @p1 [hbm4b:s6+s24], $0x320, $0x38;
	[tilespmem:$0x1ECC0] =	vst v63  }
0x32: {  	s24 =	simm.s32 @!p1 $0x0;
	s25 =	simm.s32 @!p1 $0x40  }
0x33: {  	[tilespmem:s25], [sflag:$0x4] =	stream.linear.gather @!p1 [hbm4b:s5+s24], $0xC80, $0x38;
	[tilespmem:$0x1ECC0] =	vst v63  }
0x34: {  	s24 =	simm.s32 @!p0 $0x1C07  }
0x35: {  	[spmem:s12], [sflag:s24] =	dma.local @!p0 [hbm:s3], $0x80  }
0x36: {  	s24 =	simm.s32 @!p0 $0x7  }
0x37: {  	_ =	swait.ge @!p0 [sflag:s24], $0x80  }
0x38: {  	[sflag:s24] =	ssyncset.done @!p0 $0x0  }
0x39: {  	[sflag:s24] =	ssyncadd.s32 @!p0 $0xFFFFFF80  }
0x3a: {  	s24 =	simm.s32 @p2 $0x4;
	[bflag:$0x0] =	sbarrier.arrive $0xFFFF  }
0x3b: {  	_ =	swait.ge @p2 [sflag:s24], $0xC80  }
0x3c: {  	s26 =	simm.s32 @p2 $0xCC0;
	[sflag:s24] =	ssyncset.done @p2 $0x0  }
0x3d: {  	s25 =	simm.s32 @p2 $0x40;
	[sflag:s24] =	ssyncadd.s32 @p2 $0xFFFFF380;
	s24 =	simm.s32 @p2 $0x140  }
0x3e: {  	[tilespmem:s26], [sflag:$0x1] =	stream.indirect.gather @p2 [spmem:s1], $0x80, s25, s24, $0xb8;
	[tilespmem:$0x1ECC0] =	vst v63  }
0x3f: {  	s25 =	simm.s32 @p2 $0x180;
	s26 =	simm.s32 @p2 $0xACC0  }
0x40: {  	[tilespmem:s26], [sflag:$0x2] =	stream.indirect.gather @p2 [spmem:s1], $0x80, s25, s24, $0xb8;
	[tilespmem:$0x1ECC0] =	vst v63  }
0x41: {  	s25 =	simm.s32 @p2 $0x2C0;
	s26 =	simm.s32 @p2 $0x14CC0  }
0x42: {  	[tilespmem:s26], [sflag:$0x3] =	stream.indirect.gather @p2 [spmem:s1], $0x80, s25, s24, $0xb8;
	[tilespmem:$0x1ECC0] =	vst v63  }
0x43: {  	s24 =	simm.s32 @!p2 $0x4  }
0x44: {  	_ =	swait.ge @!p2 [sflag:s24], $0x320  }
0x45: {  	s25 =	simm.s32 @!p2 $0x40;
	s26 =	simm.s32 @!p2 $0xCC0;
	[sflag:s24] =	ssyncset.done @!p2 $0x0  }
.Ltmp2:
0x46: {  	[sflag:s24] =	ssyncadd.s32 @!p2 $0xFFFFFCE0;
	s24 =	simm.s32 @!p2 $0x140;
	(pc) =	sbr.rel .LBB2_2-.Ltmp2, $4  }
0x47: {  	[tilespmem:s26], [sflag:$0x1] =	stream.indirect.gather @!p2 [spmem:s1], $0x80, s25, s24, $0xb8;
	[tilespmem:$0x1ECC0] =	vst v63  }
0x48: {  	s28 =	simm.s32 $0x0;
	s25 =	simm.s32 @!p2 $0x180;
	s26 =	simm.s32 @!p2 $0xACC0  }
0x49: {  	[tilespmem:s26], [sflag:$0x2] =	stream.indirect.gather @!p2 [spmem:s1], $0x80, s25, s24, $0xb8;
	[tilespmem:$0x1ECC0] =	vst v63  }
0x4a: {  	s24 =	simm.s32 $0xFFFFFFFF;
	s25 =	simm.s32 $0x0;
	s26 =	smov.u32 s10  }
.LBB2_8:
0x4b: {  	_ =	swait.ge [sflag:s20], $0xA000  }
0x4c: {  	[sflag:s20] =	ssyncset.done $0x0  }
0x4d: {  	[sflag:s20] =	ssyncadd.s32 $0xFFFF6000  }
0x4e: {  	[hbm4b:s26+s2] =	stream.linear.scatter [tilespmem:s15], [sflag:$0x6], $0xA000, $0x38;
	[tilespmem:$0x1ECC0] =	vst v63  }
.LBB2_9:
0x4f: {  	s28 =	sadd.s32 $0x1, s28  }
0x50: {  	p4 =	sne.s32 s28, s4  }
.Ltmp3:
0x51: {  	_ = 	snop;
	(pc) =	sbr.rel @!p4 .LBB2_10-.Ltmp3, $2  }
0x52: {  	_ =	sdelay $0x2  }
0x53: {  	s24 =	sadd.s32 $0x1, s24;
	s26 =	sadd.s32 $0x1400, s26;
	s25 =	sadd.s32 $0x500, s25  }
.LBB2_2:
0x54: {  	p4 =	seq.s32 s25, $0x0;
	s29 =	sadd.s32 $0x2, s28  }
0x55: {  	p5 =	sge.u32 @!p4 s29, s4  }
0x56: {  	p4 =	por p4, p5  }
.Ltmp4:
0x57: {  	_ = 	snop;
	(pc) =	sbr.rel @p4 .LBB2_6-.Ltmp4, $1  }
0x58: {  	_ =	sdelay $0x3  }
0x59: {  	s29 =	smulhi.u32 $0xAAAAAAAB, s24;
	_ =	sdelay $0x1  }
0x5a: {  	s29 =	sshrl.u32 s29, $0x1  }
0x5b: {  	s29 =	smul.u32 $0x3, s29;
	_ =	sdelay $0x1  }
0x5c: {  	s30 =	ssub.s32 s24, s29  }
0x5d: {  	p4 =	seq.s32 s30, $0x2  }
.Ltmp5:
0x5e: {  	_ = 	snop;
	(pc) =	sbr.rel @p4 .LBB2_5-.Ltmp5, $3  }
0x5f: {  	_ =	sdelay $0x1  }
0x60: {  	s29 =	sshra.s32 s25, $0x2  }
0x61: {  	s29 =	sadd.s32 $0x2C0, s29  }
0x62: {  	p4 =	seq.s32 s30, $0x1  }
0x63: {  	_ =	swait.ge @p4 [sflag:s16], $0xA000  }
0x64: {  	[sflag:s16] =	ssyncset.done @p4 $0x0  }
0x65: {  	[sflag:s16] =	ssyncadd.s32 @p4 $0xFFFF6000  }
0x66: {  	[tilespmem:s17], [sflag:$0x2] =	stream.indirect.gather @p4 [spmem:s1], $0x80, s29, s14, $0xb8;
	[tilespmem:$0x1ECC0] =	vst v63  }
.Ltmp6:
0x67: {  	_ = 	snop;
	(pc) =	sbr.rel .LBB2_6-.Ltmp6, $4  }
0x68: {  	_ =	swait.ge @!p4 [sflag:s18], $0xA000  }
0x69: {  	[sflag:s18] =	ssyncset.done @!p4 $0x0  }
0x6a: {  	[sflag:s18] =	ssyncadd.s32 @!p4 $0xFFFF6000  }
0x6b: {  	[tilespmem:s19], [sflag:$0x1] =	stream.indirect.gather @!p4 [spmem:s1], $0x80, s29, s14, $0xb8;
	[tilespmem:$0x1ECC0] =	vst v63  }
.LBB2_5:
0x6c: {  	_ =	swait.ge [sflag:s13], $0xA000  }
0x6d: {  	[sflag:s13] =	ssyncset.done $0x0  }
0x6e: {  	[sflag:s13] =	ssyncadd.s32 $0xFFFF6000  }
0x6f: {  	[tilespmem:s15], [sflag:$0x3] =	stream.indirect.gather [spmem:s1], $0x80, s29, s14, $0xb8;
	[tilespmem:$0x1ECC0] =	vst v63  }
.LBB2_6:
0x70: {  	s29 =	smulhi.u32 $0xAAAAAAAB, s28;
	_ =	sdelay $0x1  }
0x71: {  	s29 =	sshrl.u32 s29, $0x1  }
0x72: {  	s29 =	smul.u32 $0x3, s29;
	_ =	sdelay $0x1  }
0x73: {  	s29 =	ssub.s32 s28, s29  }
0x74: {  	p4 =	seq.s32 s29, $0x2  }
.Ltmp7:
0x75: {  	_ = 	snop;
	(pc) =	sbr.rel @p4 .LBB2_8-.Ltmp7, $1  }
0x76: {  	_ =	sdelay $0x3  }
0x77: {  	p4 =	seq.s32 s29, $0x1  }
0x78: {  	_ =	swait.ge @p4 [sflag:s21], $0xA000  }
0x79: {  	[sflag:s21] =	ssyncset.done @p4 $0x0  }
0x7a: {  	[sflag:s21] =	ssyncadd.s32 @p4 $0xFFFF6000  }
0x7b: {  	[hbm4b:s26+s2] =	stream.linear.scatter @p4 [tilespmem:s17], [sflag:$0x5], $0xA000, $0x38;
	[tilespmem:$0x1ECC0] =	vst v63  }
.Ltmp8:
0x7c: {  	_ = 	snop;
	(pc) =	sbr.rel .LBB2_9-.Ltmp8, $4  }
0x7d: {  	_ =	swait.ge @!p4 [sflag:s22], $0xA000  }
0x7e: {  	[sflag:s22] =	ssyncset.done @!p4 $0x0  }
0x7f: {  	[sflag:s22] =	ssyncadd.s32 @!p4 $0xFFFF6000  }
0x80: {  	[hbm4b:s26+s2] =	stream.linear.scatter @!p4 [tilespmem:s19], [sflag:$0x4], $0xA000, $0x38;
	[tilespmem:$0x1ECC0] =	vst v63  }
.LBB2_10:
.Ltmp9:
0x81: {  	(pc) =	sbr.rel @p6 .LBB2_16-.Ltmp9, $1  }
0x82: {  	_ =	sdelay $0x3  }
0x83: {  	s24 =	smulhi.u32 $0xAAAAAAAB, s7;
	s25 =	sadd.s32 $0xFFFFFFFF, s11  }
0x84: {  	p6 =	sne.s32 s25, $0x0  }
.Ltmp10:
0x85: {  	s24 =	sshrl.u32 s24, $0x1;
	(pc) =	sbr.rel @!p6 .LBB2_12-.Ltmp10, $3  }
0x86: {  	s24 =	smul.u32 $0x3, s24;
	_ =	sdelay $0x1  }
0x87: {  	s26 =	ssub.s32 s7, s24  }
0x88: {  	s28 =	sadd.s32 $0x1, s7;
	p5 =	por $0x0, $0x0;
	p4 =	seq.s32 s26, $0x0  }
0x89: {  	s24 =	smulhi.u32 $0xAAAAAAAB, s28;
	p5 =	seq.s32 @!p4 s26, $0x2;
	s25 =	sadd.s32 $0xFFFFFFFF, s25  }
0x8a: {  	p5 =	por !p5, p4;
	p6 =	sne.s32 s25, $0x0  }
.Ltmp11:
0x8b: {  	s31 =	sshrl.u32 s24, $0x1;
	s24 =	simm.s32 @!p5 $0x6;
	(pc) =	sbr.rel @!p6 .LBB2_15-.Ltmp11, $4  }
0x8c: {  	s26 =	smul.u32 $0x3, s31;
	s24 =	simm.s32 @p5 $0x5  }
0x8d: {  	s24 =	simm.s32 @p4 $0x4  }
0x8e: {  	p5 =	por $0x1, $0x1;
	s26 =	ssub.s32 s28, s26;
	_ =	swait.ge [sflag:s24], $0xA000  }
0x8f: {  	s28 =	sadd.s32 $0x1, s28;
	p4 =	seq.s32 s26, $0x0;
	[sflag:s24] =	ssyncset.done $0x0  }
.LBB2_14:
0x90: {  	s29 =	smulhi.u32 $0xAAAAAAAB, s28  }
0x91: {  	p6 =	seq.s32 @!p4 s26, $0x2;
	[sflag:s24] =	ssyncadd.s32 $0xFFFF6000;
	s25 =	sadd.s32 $0xFFFFFFFF, s25  }
0x92: {  	p6 =	por !p6, p4;
	p3 =	sne.s32 s25, $0x0  }
.Ltmp12:
0x93: {  	s26 =	sshrl.u32 s29, $0x1;
	s24 =	simm.s32 @!p6 $0x6;
	(pc) =	sbr.rel @p3 .LBB2_14-.Ltmp12, $4  }
0x94: {  	s26 =	smul.u32 $0x3, s26;
	s24 =	simm.s32 @p6 $0x5  }
0x95: {  	s24 =	simm.s32 @p4 $0x4  }
0x96: {  	s26 =	ssub.s32 s28, s26;
	_ =	swait.ge [sflag:s24], $0xA000  }
0x97: {  	s28 =	sadd.s32 $0x1, s28;
	p4 =	seq.s32 s26, $0x0;
	[sflag:s24] =	ssyncset.done $0x0  }
.Ltmp13:
0x98: {  	_ = 	snop;
	(pc) =	sbr.rel .LBB2_15-.Ltmp13, $1  }
0x99: {  	_ =	sdelay $0x3  }
.LBB2_17:
0x9a: {  	_ =	sfence.sel $0x180000  }
0x9b: {  	[bflag:$0x0] =	sbarrier.arrive $0xFFFF  }
0x9c: {  	_ =	strace $0x90000047  }
0x9d: {  	s0 =	sadd.s32 @!p0 $0x100000, s0;
	[bflag:$0x2] =	sbarrier.arrive $0xFFFF  }
0x9e: {  	[sflag:s0] =	ssyncadd.tile.s32 @!p0 $0x1;
	_ =	shalt  }
.Lfunc_end2:
_tile_overlayer_lowered:
.L_overlay_start_2:
0x9f: {  	(tag) =	ssettag $0x2  }
0xa0: {  	s0 =	rddreg [dreg:$0x0];
	s2 =	stileid.u32  }
0xa1: {  	s1 =	rddreg [dreg:$0x1];
	p0 =	sne.s32 s2, $0x0  }
0xa2: {  	s3 =	rddreg [dreg:$0x2];
	[bflag:$0x3] =	sbarrier.arrive $0xFFFF;
	s2 =	simm.s32 @!p0 $0x1C07  }
0xa3: {  	[timem:s3], [sflag:s2] =	dma.local @!p0 [hbm:s0], s1  }
0xa4: {  	s0 =	simm.s32 @!p0 $0x7  }
0xa5: {  	_ =	swait.ge @!p0 [sflag:s0], s1  }
0xa6: {  	s1 =	ssub.s32 @!p0 $0x0, s1;
	[sflag:s0] =	ssyncset.done @!p0 $0x0  }
0xa7: {  	[sflag:s0] =	ssyncadd.s32 @!p0 s1  }
0xa8: {  	[bflag:$0x3] =	sbarrier.arrive $0xFFFF  }
0xa9: {  	_ =	shalt  }

</sc_bundles>
